<compile_context>
chip_gen: v7x
topology: tpu7x:2x2x1
jax: 0.10.2.dev20260603
libtpu: 0.0.44.dev20260713+nightly
codegen_flags: <defaults>
</compile_context>

<pallas_src>
import functools

import jax
import jax.numpy as jnp
from jax import lax
from jax.experimental import pallas as pl
from jax.experimental.pallas import tpu as pltpu
from jax.experimental.pallas import tpu_sc as plsc

N_NODES = 10000
N_EDGES = 320000
D = 128

NC = 2
NS = 16
NW = NC * NS
L = 16

N_PAD = 10240
ROWS = N_PAD // L
E_PER_TILE = N_EDGES // NW
CHUNK = 3200
NCHUNK = N_EDGES // CHUNK
UNROLL = 10
F_PER_TILE = D // NW

_mesh = plsc.VectorSubcoreMesh(
    core_axis_name="c", subcore_axis_name="s", num_cores=NC, num_subcores=NS)



def _tc_sd_body(x_ref, w_ref, a2_ref, s_ref, d_ref):
    wa = jnp.dot(w_ref[...], a2_ref[...], preferred_element_type=jnp.float32)
    sd = jnp.dot(x_ref[...], wa, preferred_element_type=jnp.float32)
    s_ref[...] = sd[:, 0:1]
    d_ref[...] = sd[:, 1:2]


def _tc_sd(x, W, a2):
    return pl.pallas_call(
        _tc_sd_body,
        out_shape=[
            jax.ShapeDtypeStruct((N_NODES, 1), jnp.float32),
            jax.ShapeDtypeStruct((N_NODES, 1), jnp.float32),
        ],
    )(x, W, a2)


def _tc_h_body(x_ref, w_ref, h_ref):
    h = jnp.dot(x_ref[...], w_ref[...], preferred_element_type=jnp.float32)
    h_ref[...] = h.T


def _tc_h(x, W):
    return pl.pallas_call(
        _tc_h_body,
        out_shape=jax.ShapeDtypeStruct((D, N_NODES), jnp.float32),
    )(x, W)



@functools.partial(
    pl.kernel,
    out_type=[
        jax.ShapeDtypeStruct((N_EDGES,), jnp.float32),
        jax.ShapeDtypeStruct((NC, ROWS, L), jnp.float32),
    ],
    mesh=_mesh,
    scratch_types=[
        pltpu.VMEM((N_NODES,), jnp.float32),
        pltpu.VMEM((N_NODES,), jnp.float32),
        pltpu.VMEM((E_PER_TILE,), jnp.int32),
        pltpu.VMEM((E_PER_TILE,), jnp.int32),
        pltpu.VMEM((E_PER_TILE,), jnp.float32),
        pltpu.VMEM((ROWS, L), jnp.float32),
        pltpu.VMEM((ROWS,), jnp.int32),
        pltpu.VMEM_SHARED((ROWS, L), jnp.float32),
        pltpu.SemaphoreType.DMA,
    ],
    compiler_params=pltpu.CompilerParams(needs_layout_passes=False, use_tc_tiling_on_sc=False),
)
def _sc_edge(src_hbm, dst_hbm, s_hbm, d_hbm, ee_hbm, dpart_hbm,
             s_v, d_v, src_v, dst_v, ee_v, dloc_v, idx_v, dsh, sem0):
    c = lax.axis_index("c")
    s = lax.axis_index("s")
    w = s * NC + c
    base = w * E_PER_TILE

    pltpu.async_copy(s_hbm, s_v, sem0)
    pltpu.async_copy(d_hbm, d_v, sem0)
    pltpu.async_copy(src_hbm.at[pl.ds(base, E_PER_TILE)], src_v, sem0)
    cp = pltpu.async_copy(dst_hbm.at[pl.ds(base, E_PER_TILE)], dst_v, sem0)
    pltpu.make_async_copy(s_hbm, s_v, sem0).wait()
    pltpu.make_async_copy(d_hbm, d_v, sem0).wait()
    pltpu.make_async_copy(src_hbm.at[pl.ds(base, E_PER_TILE)], src_v,
                          sem0).wait()
    cp.wait()

    zf = jnp.zeros((L,), jnp.float32)
    lane = lax.iota(jnp.int32, L)

    @plsc.parallel_loop(0, ROWS, 1, unroll=8)
    def _zero(i):
        dloc_v[i, :] = zf
        idx_v[pl.ds(i * L, L)] = lane + i * L

    @pl.when(s == 0)
    def _():
        pltpu.sync_copy(dloc_v, dsh)
    plsc.subcore_barrier()

    @plsc.parallel_loop(0, E_PER_TILE // L, 1, unroll=5)
    def _edge(i):
        sl = pl.ds(i * L, L)
        src16 = src_v[sl]
        dst16 = dst_v[sl]
        sv = plsc.load_gather(s_v, [src16])
        dv = plsc.load_gather(d_v, [dst16])
        e = sv + dv
        e = jnp.maximum(e, 0.2 * e)
        ee = jnp.exp(e)
        ee_v[sl] = ee
        plsc.addupdate_scatter(
            dloc_v, [lax.shift_right_logical(dst16, 4), dst16 & 15], ee)

    pltpu.sync_copy(ee_v, ee_hbm.at[pl.ds(base, E_PER_TILE)])

    pltpu.sync_copy(dloc_v, dsh.at[idx_v], add=True)
    plsc.subcore_barrier()

    @pl.when(s == 0)
    def _():
        pltpu.sync_copy(dsh, dloc_v)
        pltpu.sync_copy(dloc_v, dpart_hbm.at[c])



@functools.partial(
    pl.kernel,
    out_type=jax.ShapeDtypeStruct((NW, F_PER_TILE, N_NODES), jnp.float32),
    mesh=_mesh,
    scratch_types=[
        pltpu.VMEM((F_PER_TILE, N_NODES), jnp.float32),
        pltpu.VMEM((F_PER_TILE, N_NODES), jnp.float32),
        pltpu.VMEM((N_PAD,), jnp.float32),
        pltpu.VMEM((N_PAD,), jnp.float32),
        pltpu.VMEM((CHUNK,), jnp.int32),
        pltpu.VMEM((CHUNK,), jnp.int32),
        pltpu.VMEM((CHUNK,), jnp.float32),
        pltpu.VMEM((CHUNK,), jnp.int32),
        pltpu.VMEM((CHUNK,), jnp.int32),
        pltpu.VMEM((CHUNK,), jnp.float32),
        pltpu.SemaphoreType.DMA,
        pltpu.SemaphoreType.DMA,
    ],
    compiler_params=pltpu.CompilerParams(needs_layout_passes=False, use_tc_tiling_on_sc=False),
)
def _sc_spmm(ht_hbm, src_hbm, dst_hbm, ee_hbm, dpart_hbm, out_hbm,
             h_v, out_v, inv_v, tmp_v, srcA, dstA, eeA, srcB, dstB, eeB,
             semA, semB):
    c = lax.axis_index("c")
    s = lax.axis_index("s")
    w = s * NC + c

    pltpu.async_copy(ht_hbm.at[w], h_v, semA)
    pltpu.async_copy(dpart_hbm.at[0], inv_v, semA)
    pltpu.async_copy(dpart_hbm.at[1], tmp_v, semA)
    pltpu.make_async_copy(ht_hbm.at[w], h_v, semA).wait()
    pltpu.make_async_copy(dpart_hbm.at[0], inv_v, semA).wait()
    pltpu.make_async_copy(dpart_hbm.at[1], tmp_v, semA).wait()

    zf = jnp.zeros((L,), jnp.float32)

    @plsc.parallel_loop(0, ROWS, 1, unroll=8)
    def _prep(i):
        sl = pl.ds(i * L, L)
        t = inv_v[sl] + tmp_v[sl]
        inv_v[sl] = 1.0 / (t + 1e-16)

    for f in range(F_PER_TILE):
        @plsc.parallel_loop(0, N_NODES // L, 1, unroll=5)
        def _zero(i, f=f):
            out_v[f, pl.ds(i * L, L)] = zf

    fconsts = [jnp.full((L,), f, jnp.int32) for f in range(F_PER_TILE)]

    def _start(off, sbuf, dbuf, ebuf, sem):
        pltpu.async_copy(src_hbm.at[pl.ds(off, CHUNK)], sbuf, sem)
        pltpu.async_copy(dst_hbm.at[pl.ds(off, CHUNK)], dbuf, sem)
        pltpu.async_copy(ee_hbm.at[pl.ds(off, CHUNK)], ebuf, sem)

    def _drain(sbuf, dbuf, ebuf, sem):
        pltpu.make_async_copy(src_hbm.at[pl.ds(0, CHUNK)], sbuf, sem).wait()
        pltpu.make_async_copy(dst_hbm.at[pl.ds(0, CHUNK)], dbuf, sem).wait()
        pltpu.make_async_copy(ee_hbm.at[pl.ds(0, CHUNK)], ebuf, sem).wait()

    def _process(sbuf, dbuf, ebuf):
        @plsc.parallel_loop(0, CHUNK // L, 1, unroll=UNROLL)
        def _grp(i):
            sl = pl.ds(i * L, L)
            src16 = sbuf[sl]
            dst16 = dbuf[sl]
            w16 = ebuf[sl]
            for f in range(F_PER_TILE):
                g = plsc.load_gather(h_v, [fconsts[f], src16])
                plsc.addupdate_scatter(out_v, [fconsts[f], dst16], g * w16)

    _start(0, srcA, dstA, eeA, semA)

    def _pair(ci, carry):
        _start((2 * ci + 1) * CHUNK, srcB, dstB, eeB, semB)
        _drain(srcA, dstA, eeA, semA)
        _process(srcA, dstA, eeA)
        off_next = jnp.minimum(2 * ci + 2, NCHUNK - 1) * CHUNK
        _start(off_next, srcA, dstA, eeA, semA)
        _drain(srcB, dstB, eeB, semB)
        _process(srcB, dstB, eeB)
        return carry
    lax.fori_loop(0, NCHUNK // 2, _pair, 0)
    _drain(srcA, dstA, eeA, semA)

    @plsc.parallel_loop(0, N_NODES // L, 1, unroll=5)
    def _scale(i):
        sl = pl.ds(i * L, L)
        iv = inv_v[sl]
        for f in range(F_PER_TILE):
            out_v[f, sl] = out_v[f, sl] * iv

    pltpu.sync_copy(out_v, out_hbm.at[w])



def kernel(x, edge_index, W, a_src, a_dst):
    src = edge_index[0]
    dst = edge_index[1]
    s2, d2 = _tc_sd(x, W, jnp.stack([a_src, a_dst], axis=1))
    s = s2.reshape(N_NODES)
    d = d2.reshape(N_NODES)
    h_T = _tc_h(x, W)
    ee, dpart = _sc_edge(src, dst, s, d)
    h_t = h_T.reshape(NW, F_PER_TILE, N_NODES)
    out_t = _sc_spmm(h_t, src, dst, ee, dpart.reshape(NC, N_PAD))
    return out_t.reshape(D, N_NODES).T

# --- scband reference (transcript-rebuilt; emitter-appended) ---
"""Pipeline reference for scband-decentral-planner-gatnet-910533067081 (READ-ONLY COPY).

The authoritative reference and input builder live on the scoring server;
editing this copy changes nothing except your own understanding.
"""

import jax, jax.numpy as jnp
import numpy as np

N_NODES = 10000
N_EDGES = 320000
D_IN = 128
D_OUT = 128


def setup_inputs(seed: int = 0) -> dict:
    key = jax.random.key(seed)
    k1, k2, k3, k4, k5 = jax.random.split(key, 5)
    x = jax.random.normal(k1, (N_NODES, D_IN), dtype=jnp.float32)
    edge_index = jax.random.randint(k2, (2, N_EDGES), 0, N_NODES, dtype=jnp.int32)
    # learned parameters of the GAT message-passing layer
    W = jax.random.normal(k3, (D_IN, D_OUT), dtype=jnp.float32) * (1.0 / np.sqrt(D_IN))
    a_src = jax.random.normal(k4, (D_OUT,), dtype=jnp.float32) * 0.1
    a_dst = jax.random.normal(k5, (D_OUT,), dtype=jnp.float32) * 0.1
    return {"x": x, "edge_index": edge_index, "W": W, "a_src": a_src, "a_dst": a_dst}


def reference(x, edge_index, W, a_src, a_dst):
    # GAT message passing (single head), the GNN core of DecentralPlannerGATNet.
    src = edge_index[0]
    dst = edge_index[1]
    h = x @ W                                  # [N, D_OUT] node transform
    h_src = jnp.take(h, src, axis=0)           # gather: [E, D_OUT]
    h_dst = jnp.take(h, dst, axis=0)           # gather: [E, D_OUT]
    e = h_src @ a_src + h_dst @ a_dst          # [E] raw attention logits
    e = jax.nn.leaky_relu(e, negative_slope=0.2)
    # numerically-stable softmax over incoming edges of each dst node
    m = jax.ops.segment_max(e, dst, num_segments=N_NODES)
    m = jnp.where(jnp.isfinite(m), m, 0.0)
    m = jax.lax.stop_gradient(m)
    e_exp = jnp.exp(e - jnp.take(m, dst))
    denom = jax.ops.segment_sum(e_exp, dst, num_segments=N_NODES)
    alpha = e_exp / (jnp.take(denom, dst) + 1e-16)  # [E]
    out = jax.ops.segment_sum(alpha[:, None] * h_src, dst, num_segments=N_NODES)  # scatter-add
    return out

if __name__ == "__main__":
    import jax
    _d = setup_inputs()
    print(jax.jit(kernel)(*tuple(_d.values())))

</pallas_src>

<mosaic_0001>
#map = affine_map<(d0, d1) -> (0, 0, 0)>
#map1 = affine_map<(d0, d1) -> (0)>
#map2 = affine_map<(d0, d1) -> (0, 0)>
module attributes {stable_mosaic.version = 14 : i64} {
  func.func @_sc_spmm(%arg0: i32, %arg1: i32, %arg2: memref<32x4x10000xf32, #tpu.memory_space<hbm>>, %arg3: memref<320000xi32, #tpu.memory_space<hbm>>, %arg4: memref<320000xi32, #tpu.memory_space<hbm>>, %arg5: memref<320000xf32, #tpu.memory_space<hbm>>, %arg6: memref<2x10240xf32, #tpu.memory_space<hbm>>, %arg7: memref<32x4x10000xf32, #tpu.memory_space<hbm>>, %arg8: memref<4x10000xf32, #tpu.memory_space<vmem>>, %arg9: memref<4x10000xf32, #tpu.memory_space<vmem>>, %arg10: memref<10240xf32, #tpu.memory_space<vmem>>, %arg11: memref<10240xf32, #tpu.memory_space<vmem>>, %arg12: memref<3200xi32, #tpu.memory_space<vmem>>, %arg13: memref<3200xi32, #tpu.memory_space<vmem>>, %arg14: memref<3200xf32, #tpu.memory_space<vmem>>, %arg15: memref<3200xi32, #tpu.memory_space<vmem>>, %arg16: memref<3200xi32, #tpu.memory_space<vmem>>, %arg17: memref<3200xf32, #tpu.memory_space<vmem>>, %arg18: memref<!tpu.dma_semaphore, #tpu.memory_space<semaphore_mem>>, %arg19: memref<!tpu.dma_semaphore, #tpu.memory_space<semaphore_mem>>) attributes {dimension_semantics = [#tpu.dimension_semantics<core_parallel>, #tpu.dimension_semantics<subcore_parallel>], iteration_bounds = array<i64: 2, 16>, scalar_prefetch = 0 : i64, scratch_operands = 12 : i64, tpu.core_type = #tpu.core_type<sc_vector_subcore>, window_params = [{transform_indices = #map}, {transform_indices = #map1}, {transform_indices = #map1}, {transform_indices = #map1}, {transform_indices = #map2}, {transform_indices = #map}]} {
    %mul3A = arith.constant 2 : i32
    %mul3A_0 = arith.muli %arg1, %mul3A : i32
    %add3A = arith.addi %mul3A_0, %arg0 : i32
    %dma_start3A = arith.constant 0 : i32
    %dma_start3A_1 = arith.constant 0 : i32
    %dma_start3A_2 = tpu.memref_slice %arg2[%add3A, %dma_start3A, %dma_start3A_1] : memref<32x4x10000xf32, #tpu.memory_space<hbm>> -> memref<1x4x10000xf32, #tpu.memory_space<hbm>>
    %dma_start3A_3 = tpu.memref_squeeze %dma_start3A_2 : memref<1x4x10000xf32, #tpu.memory_space<hbm>> -> memref<4x10000xf32, #tpu.memory_space<hbm>>
    %dma_start3A_4 = arith.constant 0 : i32
    %dma_start3A_5 = arith.constant 0 : i32
    %dma_start3A_6 = tpu.memref_slice %arg2[%add3A, %dma_start3A_4, %dma_start3A_5] : memref<32x4x10000xf32, #tpu.memory_space<hbm>> -> memref<1x4x10000xf32, #tpu.memory_space<hbm>>
    %dma_start3A_7 = tpu.memref_squeeze %dma_start3A_6 : memref<1x4x10000xf32, #tpu.memory_space<hbm>> -> memref<4x10000xf32, #tpu.memory_space<hbm>>
    tpu.enqueue_dma source(%dma_start3A_7 : memref<4x10000xf32, #tpu.memory_space<hbm>>) target(%arg8 : memref<4x10000xf32, #tpu.memory_space<vmem>>) target_semaphore(%arg18 : memref<!tpu.dma_semaphore, #tpu.memory_space<semaphore_mem>>)
    %dma_start3A_8 = arith.constant 0 : i32
    %dma_start3A_9 = arith.constant 0 : i32
    %dma_start3A_10 = tpu.memref_slice %arg6[%dma_start3A_8, %dma_start3A_9] : memref<2x10240xf32, #tpu.memory_space<hbm>> -> memref<1x10240xf32, #tpu.memory_space<hbm>>
    %dma_start3A_11 = tpu.memref_squeeze %dma_start3A_10 : memref<1x10240xf32, #tpu.memory_space<hbm>> -> memref<10240xf32, #tpu.memory_space<hbm>>
    %dma_start3A_12 = arith.constant 0 : i32
    %dma_start3A_13 = tpu.memref_slice %arg6[%dma_start3A_8, %dma_start3A_12] : memref<2x10240xf32, #tpu.memory_space<hbm>> -> memref<1x10240xf32, #tpu.memory_space<hbm>>
    %dma_start3A_14 = tpu.memref_squeeze %dma_start3A_13 : memref<1x10240xf32, #tpu.memory_space<hbm>> -> memref<10240xf32, #tpu.memory_space<hbm>>
    tpu.enqueue_dma source(%dma_start3A_14 : memref<10240xf32, #tpu.memory_space<hbm>>) target(%arg10 : memref<10240xf32, #tpu.memory_space<vmem>>) target_semaphore(%arg18 : memref<!tpu.dma_semaphore, #tpu.memory_space<semaphore_mem>>)
    %dma_start3A_15 = arith.constant 1 : i32
    %dma_start3A_16 = arith.constant 0 : i32
    %dma_start3A_17 = tpu.memref_slice %arg6[%dma_start3A_15, %dma_start3A_16] : memref<2x10240xf32, #tpu.memory_space<hbm>> -> memref<1x10240xf32, #tpu.memory_space<hbm>>
    %dma_start3A_18 = tpu.memref_squeeze %dma_start3A_17 : memref<1x10240xf32, #tpu.memory_space<hbm>> -> memref<10240xf32, #tpu.memory_space<hbm>>
    %dma_start3A_19 = arith.constant 0 : i32
    %dma_start3A_20 = tpu.memref_slice %arg6[%dma_start3A_15, %dma_start3A_19] : memref<2x10240xf32, #tpu.memory_space<hbm>> -> memref<1x10240xf32, #tpu.memory_space<hbm>>
    %dma_start3A_21 = tpu.memref_squeeze %dma_start3A_20 : memref<1x10240xf32, #tpu.memory_space<hbm>> -> memref<10240xf32, #tpu.memory_space<hbm>>
    tpu.enqueue_dma source(%dma_start3A_21 : memref<10240xf32, #tpu.memory_space<hbm>>) target(%arg11 : memref<10240xf32, #tpu.memory_space<vmem>>) target_semaphore(%arg18 : memref<!tpu.dma_semaphore, #tpu.memory_space<semaphore_mem>>)
    %dma_wait3A = arith.constant 0 : i32
    %dma_wait3A_22 = arith.constant 0 : i32
    %dma_wait3A_23 = tpu.memref_slice %arg2[%add3A, %dma_wait3A, %dma_wait3A_22] : memref<32x4x10000xf32, #tpu.memory_space<hbm>> -> memref<1x4x10000xf32, #tpu.memory_space<hbm>>
    %dma_wait3A_24 = tpu.memref_squeeze %dma_wait3A_23 : memref<1x4x10000xf32, #tpu.memory_space<hbm>> -> memref<4x10000xf32, #tpu.memory_space<hbm>>
    %dma_wait3A_25 = arith.constant 0 : i32
    %dma_wait3A_26 = arith.constant 0 : i32
    %dma_wait3A_27 = tpu.memref_slice %arg2[%add3A, %dma_wait3A_25, %dma_wait3A_26] : memref<32x4x10000xf32, #tpu.memory_space<hbm>> -> memref<1x4x10000xf32, #tpu.memory_space<hbm>>
    %dma_wait3A_28 = tpu.memref_squeeze %dma_wait3A_27 : memref<1x4x10000xf32, #tpu.memory_space<hbm>> -> memref<4x10000xf32, #tpu.memory_space<hbm>>
    tpu.wait_dma2 semaphore(%arg18 : memref<!tpu.dma_semaphore, #tpu.memory_space<semaphore_mem>>) src(%dma_wait3A_28 : memref<4x10000xf32, #tpu.memory_space<hbm>>) dst(%arg8 : memref<4x10000xf32, #tpu.memory_space<vmem>>)
    %dma_wait3A_29 = arith.constant 0 : i32
    %dma_wait3A_30 = arith.constant 0 : i32
    %dma_wait3A_31 = tpu.memref_slice %arg6[%dma_wait3A_29, %dma_wait3A_30] : memref<2x10240xf32, #tpu.memory_space<hbm>> -> memref<1x10240xf32, #tpu.memory_space<hbm>>
    %dma_wait3A_32 = tpu.memref_squeeze %dma_wait3A_31 : memref<1x10240xf32, #tpu.memory_space<hbm>> -> memref<10240xf32, #tpu.memory_space<hbm>>
    %dma_wait3A_33 = arith.constant 0 : i32
    %dma_wait3A_34 = tpu.memref_slice %arg6[%dma_wait3A_29, %dma_wait3A_33] : memref<2x10240xf32, #tpu.memory_space<hbm>> -> memref<1x10240xf32, #tpu.memory_space<hbm>>
    %dma_wait3A_35 = tpu.memref_squeeze %dma_wait3A_34 : memref<1x10240xf32, #tpu.memory_space<hbm>> -> memref<10240xf32, #tpu.memory_space<hbm>>
    tpu.wait_dma2 semaphore(%arg18 : memref<!tpu.dma_semaphore, #tpu.memory_space<semaphore_mem>>) src(%dma_wait3A_35 : memref<10240xf32, #tpu.memory_space<hbm>>) dst(%arg10 : memref<10240xf32, #tpu.memory_space<vmem>>)
    %dma_wait3A_36 = arith.constant 1 : i32
    %dma_wait3A_37 = arith.constant 0 : i32
    %dma_wait3A_38 = tpu.memref_slice %arg6[%dma_wait3A_36, %dma_wait3A_37] : memref<2x10240xf32, #tpu.memory_space<hbm>> -> memref<1x10240xf32, #tpu.memory_space<hbm>>
    %dma_wait3A_39 = tpu.memref_squeeze %dma_wait3A_38 : memref<1x10240xf32, #tpu.memory_space<hbm>> -> memref<10240xf32, #tpu.memory_space<hbm>>
    %dma_wait3A_40 = arith.constant 0 : i32
    %dma_wait3A_41 = tpu.memref_slice %arg6[%dma_wait3A_36, %dma_wait3A_40] : memref<2x10240xf32, #tpu.memory_space<hbm>> -> memref<1x10240xf32, #tpu.memory_space<hbm>>
    %dma_wait3A_42 = tpu.memref_squeeze %dma_wait3A_41 : memref<1x10240xf32, #tpu.memory_space<hbm>> -> memref<10240xf32, #tpu.memory_space<hbm>>
    tpu.wait_dma2 semaphore(%arg18 : memref<!tpu.dma_semaphore, #tpu.memory_space<semaphore_mem>>) src(%dma_wait3A_42 : memref<10240xf32, #tpu.memory_space<hbm>>) dst(%arg11 : memref<10240xf32, #tpu.memory_space<vmem>>)
    %broadcast_in_dim3A = arith.constant 0.000000e+00 : f32
    %broadcast_in_dim3A_43 = vector.broadcast %broadcast_in_dim3A : f32 to vector<16xf32>
    %parallel_loop3A = arith.constant 0 : i32
    %parallel_loop3A_44 = arith.constant 640 : i32
    %parallel_loop3A_45 = arith.constant 1 : i32
    scf.for %parallel_loop3A_98 = %parallel_loop3A to %parallel_loop3A_44 step %parallel_loop3A_45  : i32 {
      %parallel_loop3A_99 = arith.constant 16 : i32
      %parallel_loop3A_100 = arith.muli %parallel_loop3A_98, %parallel_loop3A_99 : i32
      %parallel_loop3A_101 = arith.index_cast %parallel_loop3A_100 : i32 to index
      %parallel_loop3A_102 = tpu.vector_load %arg10[%parallel_loop3A_101] {strides = array<i32>} : memref<10240xf32, #tpu.memory_space<vmem>>, vector<16xf32>,
      %parallel_loop3A_103 = arith.index_cast %parallel_loop3A_100 : i32 to index
      %parallel_loop3A_104 = tpu.vector_load %arg11[%parallel_loop3A_103] {strides = array<i32>} : memref<10240xf32, #tpu.memory_space<vmem>>, vector<16xf32>,
      %parallel_loop3A_105 = arith.addf %parallel_loop3A_102, %parallel_loop3A_104 : vector<16xf32>
      %parallel_loop3A_106 = arith.constant 1.000000e-16 : f32
      %parallel_loop3A_107 = vector.broadcast %parallel_loop3A_106 : f32 to vector<16xf32>
      %parallel_loop3A_108 = arith.addf %parallel_loop3A_105, %parallel_loop3A_107 : vector<16xf32>
      %parallel_loop3A_109 = arith.constant 1.000000e+00 : f32
      %parallel_loop3A_110 = vector.broadcast %parallel_loop3A_109 : f32 to vector<16xf32>
      %parallel_loop3A_111 = arith.divf %parallel_loop3A_110, %parallel_loop3A_108 : vector<16xf32>
      %parallel_loop3A_112 = arith.index_cast %parallel_loop3A_100 : i32 to index
      %parallel_loop3A_113 = tpu.vector_load %arg10[%parallel_loop3A_112] {strides = array<i32>} : memref<10240xf32, #tpu.memory_space<vmem>>, vector<16xf32>,
      tpu.vector_store %arg10[%parallel_loop3A_112], %parallel_loop3A_111 {strides = array<i32>} : memref<10240xf32, #tpu.memory_space<vmem>>, vector<16xf32>,
    } {sc.loop_unroll_factor = 8 : i64, sc.parallel_access}
    %parallel_loop3A_46 = arith.constant 0 : i32
    %parallel_loop3A_47 = arith.constant 625 : i32
    %parallel_loop3A_48 = arith.constant 1 : i32
    scf.for %parallel_loop3A_98 = %parallel_loop3A_46 to %parallel_loop3A_47 step %parallel_loop3A_48  : i32 {
      %parallel_loop3A_99 = arith.constant 16 : i32
      %parallel_loop3A_100 = arith.muli %parallel_loop3A_98, %parallel_loop3A_99 : i32
      %parallel_loop3A_101 = arith.constant 0 : i32
      %parallel_loop3A_102 = arith.index_cast %parallel_loop3A_101 : i32 to index
      %parallel_loop3A_103 = arith.index_cast %parallel_loop3A_100 : i32 to index
      %parallel_loop3A_104 = tpu.vector_load %arg9[%parallel_loop3A_102, %parallel_loop3A_103] {strides = array<i32>} : memref<4x10000xf32, #tpu.memory_space<vmem>>, vector<16xf32>,
      tpu.vector_store %arg9[%parallel_loop3A_102, %parallel_loop3A_103], %broadcast_in_dim3A_43 {strides = array<i32>} : memref<4x10000xf32, #tpu.memory_space<vmem>>, vector<16xf32>,
    } {sc.loop_unroll_factor = 5 : i64, sc.parallel_access}
    %parallel_loop3A_49 = arith.constant 0 : i32
    %parallel_loop3A_50 = arith.constant 625 : i32
    %parallel_loop3A_51 = arith.constant 1 : i32
    scf.for %parallel_loop3A_98 = %parallel_loop3A_49 to %parallel_loop3A_50 step %parallel_loop3A_51  : i32 {
      %parallel_loop3A_99 = arith.constant 16 : i32
      %parallel_loop3A_100 = arith.muli %parallel_loop3A_98, %parallel_loop3A_99 : i32
      %parallel_loop3A_101 = arith.constant 1 : i32
      %parallel_loop3A_102 = arith.index_cast %parallel_loop3A_101 : i32 to index
      %parallel_loop3A_103 = arith.index_cast %parallel_loop3A_100 : i32 to index
      %parallel_loop3A_104 = tpu.vector_load %arg9[%parallel_loop3A_102, %parallel_loop3A_103] {strides = array<i32>} : memref<4x10000xf32, #tpu.memory_space<vmem>>, vector<16xf32>,
      tpu.vector_store %arg9[%parallel_loop3A_102, %parallel_loop3A_103], %broadcast_in_dim3A_43 {strides = array<i32>} : memref<4x10000xf32, #tpu.memory_space<vmem>>, vector<16xf32>,
    } {sc.loop_unroll_factor = 5 : i64, sc.parallel_access}
    %parallel_loop3A_52 = arith.constant 0 : i32
    %parallel_loop3A_53 = arith.constant 625 : i32
    %parallel_loop3A_54 = arith.constant 1 : i32
    scf.for %parallel_loop3A_98 = %parallel_loop3A_52 to %parallel_loop3A_53 step %parallel_loop3A_54  : i32 {
      %parallel_loop3A_99 = arith.constant 16 : i32
      %parallel_loop3A_100 = arith.muli %parallel_loop3A_98, %parallel_loop3A_99 : i32
      %parallel_loop3A_101 = arith.constant 2 : i32
      %parallel_loop3A_102 = arith.index_cast %parallel_loop3A_101 : i32 to index
      %parallel_loop3A_103 = arith.index_cast %parallel_loop3A_100 : i32 to index
      %parallel_loop3A_104 = tpu.vector_load %arg9[%parallel_loop3A_102, %parallel_loop3A_103] {strides = array<i32>} : memref<4x10000xf32, #tpu.memory_space<vmem>>, vector<16xf32>,
      tpu.vector_store %arg9[%parallel_loop3A_102, %parallel_loop3A_103], %broadcast_in_dim3A_43 {strides = array<i32>} : memref<4x10000xf32, #tpu.memory_space<vmem>>, vector<16xf32>,
    } {sc.loop_unroll_factor = 5 : i64, sc.parallel_access}
    %parallel_loop3A_55 = arith.constant 0 : i32
    %parallel_loop3A_56 = arith.constant 625 : i32
    %parallel_loop3A_57 = arith.constant 1 : i32
    scf.for %parallel_loop3A_98 = %parallel_loop3A_55 to %parallel_loop3A_56 step %parallel_loop3A_57  : i32 {
      %parallel_loop3A_99 = arith.constant 16 : i32
      %parallel_loop3A_100 = arith.muli %parallel_loop3A_98, %parallel_loop3A_99 : i32
      %parallel_loop3A_101 = arith.constant 3 : i32
      %parallel_loop3A_102 = arith.index_cast %parallel_loop3A_101 : i32 to index
      %parallel_loop3A_103 = arith.index_cast %parallel_loop3A_100 : i32 to index
      %parallel_loop3A_104 = tpu.vector_load %arg9[%parallel_loop3A_102, %parallel_loop3A_103] {strides = array<i32>} : memref<4x10000xf32, #tpu.memory_space<vmem>>, vector<16xf32>,
      tpu.vector_store %arg9[%parallel_loop3A_102, %parallel_loop3A_103], %broadcast_in_dim3A_43 {strides = array<i32>} : memref<4x10000xf32, #tpu.memory_space<vmem>>, vector<16xf32>,
    } {sc.loop_unroll_factor = 5 : i64, sc.parallel_access}
    %broadcast_in_dim3A_58 = arith.constant 0 : i32
    %broadcast_in_dim3A_59 = vector.broadcast %broadcast_in_dim3A_58 : i32 to vector<16xi32>
    %broadcast_in_dim3A_60 = arith.constant 1 : i32
    %broadcast_in_dim3A_61 = vector.broadcast %broadcast_in_dim3A_60 : i32 to vector<16xi32>
    %broadcast_in_dim3A_62 = arith.constant 2 : i32
    %broadcast_in_dim3A_63 = vector.broadcast %broadcast_in_dim3A_62 : i32 to vector<16xi32>
    %broadcast_in_dim3A_64 = arith.constant 3 : i32
    %broadcast_in_dim3A_65 = vector.broadcast %broadcast_in_dim3A_64 : i32 to vector<16xi32>
    %dma_start3A_66 = arith.constant 0 : i32
    %dma_start3A_67 = tpu.memref_slice %arg3[%dma_start3A_66] : memref<320000xi32, #tpu.memory_space<hbm>> -> memref<3200xi32, #tpu.memory_space<hbm>>
    %dma_start3A_68 = arith.constant 0 : i32
    %dma_start3A_69 = tpu.memref_slice %arg3[%dma_start3A_68] : memref<320000xi32, #tpu.memory_space<hbm>> -> memref<3200xi32, #tpu.memory_space<hbm>>
    tpu.enqueue_dma source(%dma_start3A_69 : memref<3200xi32, #tpu.memory_space<hbm>>) target(%arg12 : memref<3200xi32, #tpu.memory_space<vmem>>) target_semaphore(%arg18 : memref<!tpu.dma_semaphore, #tpu.memory_space<semaphore_mem>>)
    %dma_start3A_70 = arith.constant 0 : i32
    %dma_start3A_71 = tpu.memref_slice %arg4[%dma_start3A_70] : memref<320000xi32, #tpu.memory_space<hbm>> -> memref<3200xi32, #tpu.memory_space<hbm>>
    %dma_start3A_72 = arith.constant 0 : i32
    %dma_start3A_73 = tpu.memref_slice %arg4[%dma_start3A_72] : memref<320000xi32, #tpu.memory_space<hbm>> -> memref<3200xi32, #tpu.memory_space<hbm>>
    tpu.enqueue_dma source(%dma_start3A_73 : memref<3200xi32, #tpu.memory_space<hbm>>) target(%arg13 : memref<3200xi32, #tpu.memory_space<vmem>>) target_semaphore(%arg18 : memref<!tpu.dma_semaphore, #tpu.memory_space<semaphore_mem>>)
    %dma_start3A_74 = arith.constant 0 : i32
    %dma_start3A_75 = tpu.memref_slice %arg5[%dma_start3A_74] : memref<320000xf32, #tpu.memory_space<hbm>> -> memref<3200xf32, #tpu.memory_space<hbm>>
    %dma_start3A_76 = arith.constant 0 : i32
    %dma_start3A_77 = tpu.memref_slice %arg5[%dma_start3A_76] : memref<320000xf32, #tpu.memory_space<hbm>> -> memref<3200xf32, #tpu.memory_space<hbm>>
    tpu.enqueue_dma source(%dma_start3A_77 : memref<3200xf32, #tpu.memory_space<hbm>>) target(%arg14 : memref<3200xf32, #tpu.memory_space<vmem>>) target_semaphore(%arg18 : memref<!tpu.dma_semaphore, #tpu.memory_space<semaphore_mem>>)
    %scan3A = arith.constant 0 : i32
    %scan3A_78 = arith.constant 0 : i32
    %scan3A_79 = arith.constant 50 : i32
    %scan3A_80 = arith.addi %scan3A_78, %scan3A_79 : i32
    %scan3A_81 = arith.constant 1 : i32
    scf.for %scan3A_98 = %scan3A_78 to %scan3A_80 step %scan3A_81  : i32 {
      %mul3A_99 = arith.constant 2 : i32
      %mul3A_100 = arith.muli %mul3A_99, %scan3A_98 : i32
      %add3A_101 = arith.constant 1 : i32
      %add3A_102 = arith.addi %mul3A_100, %add3A_101 : i32
      %mul3A_103 = arith.constant 3200 : i32
      %mul3A_104 = arith.muli %add3A_102, %mul3A_103 : i32
      %dma_start3A_105 = tpu.memref_slice %arg3[%mul3A_104] : memref<320000xi32, #tpu.memory_space<hbm>> -> memref<3200xi32, #tpu.memory_space<hbm>>
      %dma_start3A_106 = tpu.memref_slice %arg3[%mul3A_104] : memref<320000xi32, #tpu.memory_space<hbm>> -> memref<3200xi32, #tpu.memory_space<hbm>>
      tpu.enqueue_dma source(%dma_start3A_106 : memref<3200xi32, #tpu.memory_space<hbm>>) target(%arg15 : memref<3200xi32, #tpu.memory_space<vmem>>) target_semaphore(%arg19 : memref<!tpu.dma_semaphore, #tpu.memory_space<semaphore_mem>>)
      %dma_start3A_107 = tpu.memref_slice %arg4[%mul3A_104] : memref<320000xi32, #tpu.memory_space<hbm>> -> memref<3200xi32, #tpu.memory_space<hbm>>
      %dma_start3A_108 = tpu.memref_slice %arg4[%mul3A_104] : memref<320000xi32, #tpu.memory_space<hbm>> -> memref<3200xi32, #tpu.memory_space<hbm>>
      tpu.enqueue_dma source(%dma_start3A_108 : memref<3200xi32, #tpu.memory_space<hbm>>) target(%arg16 : memref<3200xi32, #tpu.memory_space<vmem>>) target_semaphore(%arg19 : memref<!tpu.dma_semaphore, #tpu.memory_space<semaphore_mem>>)
      %dma_start3A_109 = tpu.memref_slice %arg5[%mul3A_104] : memref<320000xf32, #tpu.memory_space<hbm>> -> memref<3200xf32, #tpu.memory_space<hbm>>
      %dma_start3A_110 = tpu.memref_slice %arg5[%mul3A_104] : memref<320000xf32, #tpu.memory_space<hbm>> -> memref<3200xf32, #tpu.memory_space<hbm>>
      tpu.enqueue_dma source(%dma_start3A_110 : memref<3200xf32, #tpu.memory_space<hbm>>) target(%arg17 : memref<3200xf32, #tpu.memory_space<vmem>>) target_semaphore(%arg19 : memref<!tpu.dma_semaphore, #tpu.memory_space<semaphore_mem>>)
      %dma_wait3A_111 = arith.constant 0 : i32
      %dma_wait3A_112 = tpu.memref_slice %arg3[%dma_wait3A_111] : memref<320000xi32, #tpu.memory_space<hbm>> -> memref<3200xi32, #tpu.memory_space<hbm>>
      %dma_wait3A_113 = arith.constant 0 : i32
      %dma_wait3A_114 = tpu.memref_slice %arg3[%dma_wait3A_113] : memref<320000xi32, #tpu.memory_space<hbm>> -> memref<3200xi32, #tpu.memory_space<hbm>>
      tpu.wait_dma2 semaphore(%arg18 : memref<!tpu.dma_semaphore, #tpu.memory_space<semaphore_mem>>) src(%dma_wait3A_114 : memref<3200xi32, #tpu.memory_space<hbm>>) dst(%arg12 : memref<3200xi32, #tpu.memory_space<vmem>>)
      %dma_wait3A_115 = arith.constant 0 : i32
      %dma_wait3A_116 = tpu.memref_slice %arg4[%dma_wait3A_115] : memref<320000xi32, #tpu.memory_space<hbm>> -> memref<3200xi32, #tpu.memory_space<hbm>>
      %dma_wait3A_117 = arith.constant 0 : i32
      %dma_wait3A_118 = tpu.memref_slice %arg4[%dma_wait3A_117] : memref<320000xi32, #tpu.memory_space<hbm>> -> memref<3200xi32, #tpu.memory_space<hbm>>
      tpu.wait_dma2 semaphore(%arg18 : memref<!tpu.dma_semaphore, #tpu.memory_space<semaphore_mem>>) src(%dma_wait3A_118 : memref<3200xi32, #tpu.memory_space<hbm>>) dst(%arg13 : memref<3200xi32, #tpu.memory_space<vmem>>)
      %dma_wait3A_119 = arith.constant 0 : i32
      %dma_wait3A_120 = tpu.memref_slice %arg5[%dma_wait3A_119] : memref<320000xf32, #tpu.memory_space<hbm>> -> memref<3200xf32, #tpu.memory_space<hbm>>
      %dma_wait3A_121 = arith.constant 0 : i32
      %dma_wait3A_122 = tpu.memref_slice %arg5[%dma_wait3A_121] : memref<320000xf32, #tpu.memory_space<hbm>> -> memref<3200xf32, #tpu.memory_space<hbm>>
      tpu.wait_dma2 semaphore(%arg18 : memref<!tpu.dma_semaphore, #tpu.memory_space<semaphore_mem>>) src(%dma_wait3A_122 : memref<3200xf32, #tpu.memory_space<hbm>>) dst(%arg14 : memref<3200xf32, #tpu.memory_space<vmem>>)
      %parallel_loop3A_123 = arith.constant 0 : i32
      %parallel_loop3A_124 = arith.constant 200 : i32
      %parallel_loop3A_125 = arith.constant 1 : i32
      scf.for %parallel_loop3A_154 = %parallel_loop3A_123 to %parallel_loop3A_124 step %parallel_loop3A_125  : i32 {
        %parallel_loop3A_155 = arith.constant 16 : i32
        %parallel_loop3A_156 = arith.muli %parallel_loop3A_154, %parallel_loop3A_155 : i32
        %parallel_loop3A_157 = arith.index_cast %parallel_loop3A_156 : i32 to index
        %parallel_loop3A_158 = tpu.vector_load %arg12[%parallel_loop3A_157] {strides = array<i32>} : memref<3200xi32, #tpu.memory_space<vmem>>, vector<16xi32>,
        %parallel_loop3A_159 = arith.index_cast %parallel_loop3A_156 : i32 to index
        %parallel_loop3A_160 = tpu.vector_load %arg13[%parallel_loop3A_159] {strides = array<i32>} : memref<3200xi32, #tpu.memory_space<vmem>>, vector<16xi32>,
        %parallel_loop3A_161 = arith.index_cast %parallel_loop3A_156 : i32 to index
        %parallel_loop3A_162 = tpu.vector_load %arg14[%parallel_loop3A_161] {strides = array<i32>} : memref<3200xf32, #tpu.memory_space<vmem>>, vector<16xf32>,
        %parallel_loop3A_163 = tpu.vector_load_idx %arg8[%broadcast_in_dim3A_59, %parallel_loop3A_158] : memref<4x10000xf32, #tpu.memory_space<vmem>>[vector<16xi32>, vector<16xi32>], vector<16xf32>,
        %parallel_loop3A_164 = arith.mulf %parallel_loop3A_163, %parallel_loop3A_162 : vector<16xf32>
        tpu.vector_store_idx %arg9[%broadcast_in_dim3A_59, %parallel_loop3A_160], %parallel_loop3A_164 {add = true} : memref<4x10000xf32, #tpu.memory_space<vmem>>[vector<16xi32>, vector<16xi32>], vector<16xf32>,
        %parallel_loop3A_165 = tpu.vector_load_idx %arg8[%broadcast_in_dim3A_61, %parallel_loop3A_158] : memref<4x10000xf32, #tpu.memory_space<vmem>>[vector<16xi32>, vector<16xi32>], vector<16xf32>,
        %parallel_loop3A_166 = arith.mulf %parallel_loop3A_165, %parallel_loop3A_162 : vector<16xf32>
        tpu.vector_store_idx %arg9[%broadcast_in_dim3A_61, %parallel_loop3A_160], %parallel_loop3A_166 {add = true} : memref<4x10000xf32, #tpu.memory_space<vmem>>[vector<16xi32>, vector<16xi32>], vector<16xf32>,
        %parallel_loop3A_167 = tpu.vector_load_idx %arg8[%broadcast_in_dim3A_63, %parallel_loop3A_158] : memref<4x10000xf32, #tpu.memory_space<vmem>>[vector<16xi32>, vector<16xi32>], vector<16xf32>,
        %parallel_loop3A_168 = arith.mulf %parallel_loop3A_167, %parallel_loop3A_162 : vector<16xf32>
        tpu.vector_store_idx %arg9[%broadcast_in_dim3A_63, %parallel_loop3A_160], %parallel_loop3A_168 {add = true} : memref<4x10000xf32, #tpu.memory_space<vmem>>[vector<16xi32>, vector<16xi32>], vector<16xf32>,
        %parallel_loop3A_169 = tpu.vector_load_idx %arg8[%broadcast_in_dim3A_65, %parallel_loop3A_158] : memref<4x10000xf32, #tpu.memory_space<vmem>>[vector<16xi32>, vector<16xi32>], vector<16xf32>,
        %parallel_loop3A_170 = arith.mulf %parallel_loop3A_169, %parallel_loop3A_162 : vector<16xf32>
        tpu.vector_store_idx %arg9[%broadcast_in_dim3A_65, %parallel_loop3A_160], %parallel_loop3A_170 {add = true} : memref<4x10000xf32, #tpu.memory_space<vmem>>[vector<16xi32>, vector<16xi32>], vector<16xf32>,
      } {sc.loop_unroll_factor = 10 : i64, sc.parallel_access}
      %mul3A_126 = arith.constant 2 : i32
      %mul3A_127 = arith.muli %mul3A_126, %scan3A_98 : i32
      %add3A_128 = arith.constant 2 : i32
      %add3A_129 = arith.addi %mul3A_127, %add3A_128 : i32
      %min3A = arith.constant 99 : i32
      %min3A_130 = arith.minsi %add3A_129, %min3A : i32
      %mul3A_131 = arith.constant 3200 : i32
      %mul3A_132 = arith.muli %min3A_130, %mul3A_131 : i32
      %dma_start3A_133 = tpu.memref_slice %arg3[%mul3A_132] : memref<320000xi32, #tpu.memory_space<hbm>> -> memref<3200xi32, #tpu.memory_space<hbm>>
      %dma_start3A_134 = tpu.memref_slice %arg3[%mul3A_132] : memref<320000xi32, #tpu.memory_space<hbm>> -> memref<3200xi32, #tpu.memory_space<hbm>>
      tpu.enqueue_dma source(%dma_start3A_134 : memref<3200xi32, #tpu.memory_space<hbm>>) target(%arg12 : memref<3200xi32, #tpu.memory_space<vmem>>) target_semaphore(%arg18 : memref<!tpu.dma_semaphore, #tpu.memory_space<semaphore_mem>>)
      %dma_start3A_135 = tpu.memref_slice %arg4[%mul3A_132] : memref<320000xi32, #tpu.memory_space<hbm>> -> memref<3200xi32, #tpu.memory_space<hbm>>
      %dma_start3A_136 = tpu.memref_slice %arg4[%mul3A_132] : memref<320000xi32, #tpu.memory_space<hbm>> -> memref<3200xi32, #tpu.memory_space<hbm>>
      tpu.enqueue_dma source(%dma_start3A_136 : memref<3200xi32, #tpu.memory_space<hbm>>) target(%arg13 : memref<3200xi32, #tpu.memory_space<vmem>>) target_semaphore(%arg18 : memref<!tpu.dma_semaphore, #tpu.memory_space<semaphore_mem>>)
      %dma_start3A_137 = tpu.memref_slice %arg5[%mul3A_132] : memref<320000xf32, #tpu.memory_space<hbm>> -> memref<3200xf32, #tpu.memory_space<hbm>>
      %dma_start3A_138 = tpu.memref_slice %arg5[%mul3A_132] : memref<320000xf32, #tpu.memory_space<hbm>> -> memref<3200xf32, #tpu.memory_space<hbm>>
      tpu.enqueue_dma source(%dma_start3A_138 : memref<3200xf32, #tpu.memory_space<hbm>>) target(%arg14 : memref<3200xf32, #tpu.memory_space<vmem>>) target_semaphore(%arg18 : memref<!tpu.dma_semaphore, #tpu.memory_space<semaphore_mem>>)
      %dma_wait3A_139 = arith.constant 0 : i32
      %dma_wait3A_140 = tpu.memref_slice %arg3[%dma_wait3A_139] : memref<320000xi32, #tpu.memory_space<hbm>> -> memref<3200xi32, #tpu.memory_space<hbm>>
      %dma_wait3A_141 = arith.constant 0 : i32
      %dma_wait3A_142 = tpu.memref_slice %arg3[%dma_wait3A_141] : memref<320000xi32, #tpu.memory_space<hbm>> -> memref<3200xi32, #tpu.memory_space<hbm>>
      tpu.wait_dma2 semaphore(%arg19 : memref<!tpu.dma_semaphore, #tpu.memory_space<semaphore_mem>>) src(%dma_wait3A_142 : memref<3200xi32, #tpu.memory_space<hbm>>) dst(%arg15 : memref<3200xi32, #tpu.memory_space<vmem>>)
      %dma_wait3A_143 = arith.constant 0 : i32
      %dma_wait3A_144 = tpu.memref_slice %arg4[%dma_wait3A_143] : memref<320000xi32, #tpu.memory_space<hbm>> -> memref<3200xi32, #tpu.memory_space<hbm>>
      %dma_wait3A_145 = arith.constant 0 : i32
      %dma_wait3A_146 = tpu.memref_slice %arg4[%dma_wait3A_145] : memref<320000xi32, #tpu.memory_space<hbm>> -> memref<3200xi32, #tpu.memory_space<hbm>>
      tpu.wait_dma2 semaphore(%arg19 : memref<!tpu.dma_semaphore, #tpu.memory_space<semaphore_mem>>) src(%dma_wait3A_146 : memref<3200xi32, #tpu.memory_space<hbm>>) dst(%arg16 : memref<3200xi32, #tpu.memory_space<vmem>>)
      %dma_wait3A_147 = arith.constant 0 : i32
      %dma_wait3A_148 = tpu.memref_slice %arg5[%dma_wait3A_147] : memref<320000xf32, #tpu.memory_space<hbm>> -> memref<3200xf32, #tpu.memory_space<hbm>>
      %dma_wait3A_149 = arith.constant 0 : i32
      %dma_wait3A_150 = tpu.memref_slice %arg5[%dma_wait3A_149] : memref<320000xf32, #tpu.memory_space<hbm>> -> memref<3200xf32, #tpu.memory_space<hbm>>
      tpu.wait_dma2 semaphore(%arg19 : memref<!tpu.dma_semaphore, #tpu.memory_space<semaphore_mem>>) src(%dma_wait3A_150 : memref<3200xf32, #tpu.memory_space<hbm>>) dst(%arg17 : memref<3200xf32, #tpu.memory_space<vmem>>)
      %parallel_loop3A_151 = arith.constant 0 : i32
      %parallel_loop3A_152 = arith.constant 200 : i32
      %parallel_loop3A_153 = arith.constant 1 : i32
      scf.for %parallel_loop3A_154 = %parallel_loop3A_151 to %parallel_loop3A_152 step %parallel_loop3A_153  : i32 {
        %parallel_loop3A_155 = arith.constant 16 : i32
        %parallel_loop3A_156 = arith.muli %parallel_loop3A_154, %parallel_loop3A_155 : i32
        %parallel_loop3A_157 = arith.index_cast %parallel_loop3A_156 : i32 to index
        %parallel_loop3A_158 = tpu.vector_load %arg15[%parallel_loop3A_157] {strides = array<i32>} : memref<3200xi32, #tpu.memory_space<vmem>>, vector<16xi32>,
        %parallel_loop3A_159 = arith.index_cast %parallel_loop3A_156 : i32 to index
        %parallel_loop3A_160 = tpu.vector_load %arg16[%parallel_loop3A_159] {strides = array<i32>} : memref<3200xi32, #tpu.memory_space<vmem>>, vector<16xi32>,
        %parallel_loop3A_161 = arith.index_cast %parallel_loop3A_156 : i32 to index
        %parallel_loop3A_162 = tpu.vector_load %arg17[%parallel_loop3A_161] {strides = array<i32>} : memref<3200xf32, #tpu.memory_space<vmem>>, vector<16xf32>,
        %parallel_loop3A_163 = tpu.vector_load_idx %arg8[%broadcast_in_dim3A_59, %parallel_loop3A_158] : memref<4x10000xf32, #tpu.memory_space<vmem>>[vector<16xi32>, vector<16xi32>], vector<16xf32>,
        %parallel_loop3A_164 = arith.mulf %parallel_loop3A_163, %parallel_loop3A_162 : vector<16xf32>
        tpu.vector_store_idx %arg9[%broadcast_in_dim3A_59, %parallel_loop3A_160], %parallel_loop3A_164 {add = true} : memref<4x10000xf32, #tpu.memory_space<vmem>>[vector<16xi32>, vector<16xi32>], vector<16xf32>,
        %parallel_loop3A_165 = tpu.vector_load_idx %arg8[%broadcast_in_dim3A_61, %parallel_loop3A_158] : memref<4x10000xf32, #tpu.memory_space<vmem>>[vector<16xi32>, vector<16xi32>], vector<16xf32>,
        %parallel_loop3A_166 = arith.mulf %parallel_loop3A_165, %parallel_loop3A_162 : vector<16xf32>
        tpu.vector_store_idx %arg9[%broadcast_in_dim3A_61, %parallel_loop3A_160], %parallel_loop3A_166 {add = true} : memref<4x10000xf32, #tpu.memory_space<vmem>>[vector<16xi32>, vector<16xi32>], vector<16xf32>,
        %parallel_loop3A_167 = tpu.vector_load_idx %arg8[%broadcast_in_dim3A_63, %parallel_loop3A_158] : memref<4x10000xf32, #tpu.memory_space<vmem>>[vector<16xi32>, vector<16xi32>], vector<16xf32>,
        %parallel_loop3A_168 = arith.mulf %parallel_loop3A_167, %parallel_loop3A_162 : vector<16xf32>
        tpu.vector_store_idx %arg9[%broadcast_in_dim3A_63, %parallel_loop3A_160], %parallel_loop3A_168 {add = true} : memref<4x10000xf32, #tpu.memory_space<vmem>>[vector<16xi32>, vector<16xi32>], vector<16xf32>,
        %parallel_loop3A_169 = tpu.vector_load_idx %arg8[%broadcast_in_dim3A_65, %parallel_loop3A_158] : memref<4x10000xf32, #tpu.memory_space<vmem>>[vector<16xi32>, vector<16xi32>], vector<16xf32>,
        %parallel_loop3A_170 = arith.mulf %parallel_loop3A_169, %parallel_loop3A_162 : vector<16xf32>
        tpu.vector_store_idx %arg9[%broadcast_in_dim3A_65, %parallel_loop3A_160], %parallel_loop3A_170 {add = true} : memref<4x10000xf32, #tpu.memory_space<vmem>>[vector<16xi32>, vector<16xi32>], vector<16xf32>,
      } {sc.loop_unroll_factor = 10 : i64, sc.parallel_access}
    }
    %scan3A_82 = arith.constant 50 : i32
    %dma_wait3A_83 = arith.constant 0 : i32
    %dma_wait3A_84 = tpu.memref_slice %arg3[%dma_wait3A_83] : memref<320000xi32, #tpu.memory_space<hbm>> -> memref<3200xi32, #tpu.memory_space<hbm>>
    %dma_wait3A_85 = arith.constant 0 : i32
    %dma_wait3A_86 = tpu.memref_slice %arg3[%dma_wait3A_85] : memref<320000xi32, #tpu.memory_space<hbm>> -> memref<3200xi32, #tpu.memory_space<hbm>>
    tpu.wait_dma2 semaphore(%arg18 : memref<!tpu.dma_semaphore, #tpu.memory_space<semaphore_mem>>) src(%dma_wait3A_86 : memref<3200xi32, #tpu.memory_space<hbm>>) dst(%arg12 : memref<3200xi32, #tpu.memory_space<vmem>>)
    %dma_wait3A_87 = arith.constant 0 : i32
    %dma_wait3A_88 = tpu.memref_slice %arg4[%dma_wait3A_87] : memref<320000xi32, #tpu.memory_space<hbm>> -> memref<3200xi32, #tpu.memory_space<hbm>>
    %dma_wait3A_89 = arith.constant 0 : i32
    %dma_wait3A_90 = tpu.memref_slice %arg4[%dma_wait3A_89] : memref<320000xi32, #tpu.memory_space<hbm>> -> memref<3200xi32, #tpu.memory_space<hbm>>
    tpu.wait_dma2 semaphore(%arg18 : memref<!tpu.dma_semaphore, #tpu.memory_space<semaphore_mem>>) src(%dma_wait3A_90 : memref<3200xi32, #tpu.memory_space<hbm>>) dst(%arg13 : memref<3200xi32, #tpu.memory_space<vmem>>)
    %dma_wait3A_91 = arith.constant 0 : i32
    %dma_wait3A_92 = tpu.memref_slice %arg5[%dma_wait3A_91] : memref<320000xf32, #tpu.memory_space<hbm>> -> memref<3200xf32, #tpu.memory_space<hbm>>
    %dma_wait3A_93 = arith.constant 0 : i32
    %dma_wait3A_94 = tpu.memref_slice %arg5[%dma_wait3A_93] : memref<320000xf32, #tpu.memory_space<hbm>> -> memref<3200xf32, #tpu.memory_space<hbm>>
    tpu.wait_dma2 semaphore(%arg18 : memref<!tpu.dma_semaphore, #tpu.memory_space<semaphore_mem>>) src(%dma_wait3A_94 : memref<3200xf32, #tpu.memory_space<hbm>>) dst(%arg14 : memref<3200xf32, #tpu.memory_space<vmem>>)
    %parallel_loop3A_95 = arith.constant 0 : i32
    %parallel_loop3A_96 = arith.constant 625 : i32
    %parallel_loop3A_97 = arith.constant 1 : i32
    scf.for %parallel_loop3A_98 = %parallel_loop3A_95 to %parallel_loop3A_96 step %parallel_loop3A_97  : i32 {
      %parallel_loop3A_99 = arith.constant 16 : i32
      %parallel_loop3A_100 = arith.muli %parallel_loop3A_98, %parallel_loop3A_99 : i32
      %parallel_loop3A_101 = arith.index_cast %parallel_loop3A_100 : i32 to index
      %parallel_loop3A_102 = tpu.vector_load %arg10[%parallel_loop3A_101] {strides = array<i32>} : memref<10240xf32, #tpu.memory_space<vmem>>, vector<16xf32>,
      %parallel_loop3A_103 = arith.constant 0 : i32
      %parallel_loop3A_104 = arith.index_cast %parallel_loop3A_103 : i32 to index
      %parallel_loop3A_105 = arith.index_cast %parallel_loop3A_100 : i32 to index
      %parallel_loop3A_106 = tpu.vector_load %arg9[%parallel_loop3A_104, %parallel_loop3A_105] {strides = array<i32>} : memref<4x10000xf32, #tpu.memory_space<vmem>>, vector<16xf32>,
      %parallel_loop3A_107 = arith.mulf %parallel_loop3A_106, %parallel_loop3A_102 : vector<16xf32>
      %parallel_loop3A_108 = arith.constant 0 : i32
      %parallel_loop3A_109 = arith.index_cast %parallel_loop3A_108 : i32 to index
      %parallel_loop3A_110 = arith.index_cast %parallel_loop3A_100 : i32 to index
      %parallel_loop3A_111 = tpu.vector_load %arg9[%parallel_loop3A_109, %parallel_loop3A_110] {strides = array<i32>} : memref<4x10000xf32, #tpu.memory_space<vmem>>, vector<16xf32>,
      tpu.vector_store %arg9[%parallel_loop3A_109, %parallel_loop3A_110], %parallel_loop3A_107 {strides = array<i32>} : memref<4x10000xf32, #tpu.memory_space<vmem>>, vector<16xf32>,
      %parallel_loop3A_112 = arith.constant 1 : i32
      %parallel_loop3A_113 = arith.index_cast %parallel_loop3A_112 : i32 to index
      %parallel_loop3A_114 = arith.index_cast %parallel_loop3A_100 : i32 to index
      %parallel_loop3A_115 = tpu.vector_load %arg9[%parallel_loop3A_113, %parallel_loop3A_114] {strides = array<i32>} : memref<4x10000xf32, #tpu.memory_space<vmem>>, vector<16xf32>,
      %parallel_loop3A_116 = arith.mulf %parallel_loop3A_115, %parallel_loop3A_102 : vector<16xf32>
      %parallel_loop3A_117 = arith.constant 1 : i32
      %parallel_loop3A_118 = arith.index_cast %parallel_loop3A_117 : i32 to index
      %parallel_loop3A_119 = arith.index_cast %parallel_loop3A_100 : i32 to index
      %parallel_loop3A_120 = tpu.vector_load %arg9[%parallel_loop3A_118, %parallel_loop3A_119] {strides = array<i32>} : memref<4x10000xf32, #tpu.memory_space<vmem>>, vector<16xf32>,
      tpu.vector_store %arg9[%parallel_loop3A_118, %parallel_loop3A_119], %parallel_loop3A_116 {strides = array<i32>} : memref<4x10000xf32, #tpu.memory_space<vmem>>, vector<16xf32>,
      %parallel_loop3A_121 = arith.constant 2 : i32
      %parallel_loop3A_122 = arith.index_cast %parallel_loop3A_121 : i32 to index
      %parallel_loop3A_123 = arith.index_cast %parallel_loop3A_100 : i32 to index
      %parallel_loop3A_124 = tpu.vector_load %arg9[%parallel_loop3A_122, %parallel_loop3A_123] {strides = array<i32>} : memref<4x10000xf32, #tpu.memory_space<vmem>>, vector<16xf32>,
      %parallel_loop3A_125 = arith.mulf %parallel_loop3A_124, %parallel_loop3A_102 : vector<16xf32>
      %parallel_loop3A_126 = arith.constant 2 : i32
      %parallel_loop3A_127 = arith.index_cast %parallel_loop3A_126 : i32 to index
      %parallel_loop3A_128 = arith.index_cast %parallel_loop3A_100 : i32 to index
      %parallel_loop3A_129 = tpu.vector_load %arg9[%parallel_loop3A_127, %parallel_loop3A_128] {strides = array<i32>} : memref<4x10000xf32, #tpu.memory_space<vmem>>, vector<16xf32>,
      tpu.vector_store %arg9[%parallel_loop3A_127, %parallel_loop3A_128], %parallel_loop3A_125 {strides = array<i32>} : memref<4x10000xf32, #tpu.memory_space<vmem>>, vector<16xf32>,
      %parallel_loop3A_130 = arith.constant 3 : i32
      %parallel_loop3A_131 = arith.index_cast %parallel_loop3A_130 : i32 to index
      %parallel_loop3A_132 = arith.index_cast %parallel_loop3A_100 : i32 to index
      %parallel_loop3A_133 = tpu.vector_load %arg9[%parallel_loop3A_131, %parallel_loop3A_132] {strides = array<i32>} : memref<4x10000xf32, #tpu.memory_space<vmem>>, vector<16xf32>,
      %parallel_loop3A_134 = arith.mulf %parallel_loop3A_133, %parallel_loop3A_102 : vector<16xf32>
      %parallel_loop3A_135 = arith.constant 3 : i32
      %parallel_loop3A_136 = arith.index_cast %parallel_loop3A_135 : i32 to index
      %parallel_loop3A_137 = arith.index_cast %parallel_loop3A_100 : i32 to index
      %parallel_loop3A_138 = tpu.vector_load %arg9[%parallel_loop3A_136, %parallel_loop3A_137] {strides = array<i32>} : memref<4x10000xf32, #tpu.memory_space<vmem>>, vector<16xf32>,
      tpu.vector_store %arg9[%parallel_loop3A_136, %parallel_loop3A_137], %parallel_loop3A_134 {strides = array<i32>} : memref<4x10000xf32, #tpu.memory_space<vmem>>, vector<16xf32>,
    } {sc.loop_unroll_factor = 5 : i64, sc.parallel_access}
    "tpu.region"() ({
      %run_scoped3A = tpu.sem_alloc : memref<!tpu.dma_semaphore, #tpu.memory_space<semaphore_mem>>
      %dma_start3A_98 = arith.constant 0 : i32
      %dma_start3A_99 = arith.constant 0 : i32
      %dma_start3A_100 = tpu.memref_slice %arg7[%add3A, %dma_start3A_98, %dma_start3A_99] : memref<32x4x10000xf32, #tpu.memory_space<hbm>> -> memref<1x4x10000xf32, #tpu.memory_space<hbm>>
      %dma_start3A_101 = tpu.memref_squeeze %dma_start3A_100 : memref<1x4x10000xf32, #tpu.memory_space<hbm>> -> memref<4x10000xf32, #tpu.memory_space<hbm>>
      %dma_start3A_102 = arith.constant 0 : i32
      %dma_start3A_103 = arith.constant 0 : i32
      %dma_start3A_104 = tpu.memref_slice %arg7[%add3A, %dma_start3A_102, %dma_start3A_103] : memref<32x4x10000xf32, #tpu.memory_space<hbm>> -> memref<1x4x10000xf32, #tpu.memory_space<hbm>>
      %dma_start3A_105 = tpu.memref_squeeze %dma_start3A_104 : memref<1x4x10000xf32, #tpu.memory_space<hbm>> -> memref<4x10000xf32, #tpu.memory_space<hbm>>
      tpu.enqueue_dma source(%arg9 : memref<4x10000xf32, #tpu.memory_space<vmem>>) target(%dma_start3A_105 : memref<4x10000xf32, #tpu.memory_space<hbm>>) target_semaphore(%run_scoped3A : memref<!tpu.dma_semaphore, #tpu.memory_space<semaphore_mem>>)
      %dma_wait3A_106 = arith.constant 0 : i32
      %dma_wait3A_107 = arith.constant 0 : i32
      %dma_wait3A_108 = tpu.memref_slice %arg7[%add3A, %dma_wait3A_106, %dma_wait3A_107] : memref<32x4x10000xf32, #tpu.memory_space<hbm>> -> memref<1x4x10000xf32, #tpu.memory_space<hbm>>
      %dma_wait3A_109 = tpu.memref_squeeze %dma_wait3A_108 : memref<1x4x10000xf32, #tpu.memory_space<hbm>> -> memref<4x10000xf32, #tpu.memory_space<hbm>>
      %dma_wait3A_110 = arith.constant 0 : i32
      %dma_wait3A_111 = arith.constant 0 : i32
      %dma_wait3A_112 = tpu.memref_slice %arg7[%add3A, %dma_wait3A_110, %dma_wait3A_111] : memref<32x4x10000xf32, #tpu.memory_space<hbm>> -> memref<1x4x10000xf32, #tpu.memory_space<hbm>>
      %dma_wait3A_113 = tpu.memref_squeeze %dma_wait3A_112 : memref<1x4x10000xf32, #tpu.memory_space<hbm>> -> memref<4x10000xf32, #tpu.memory_space<hbm>>
      tpu.wait_dma2 semaphore(%run_scoped3A : memref<!tpu.dma_semaphore, #tpu.memory_space<semaphore_mem>>) src(%arg9 : memref<4x10000xf32, #tpu.memory_space<vmem>>) dst(%dma_wait3A_113 : memref<4x10000xf32, #tpu.memory_space<hbm>>)
      tpu.yield
    }) : () -> ()
    return
  }
}

#map = affine_map<(d0, d1) -> (0)>
#map1 = affine_map<(d0, d1) -> (0, 0, 0)>
module attributes {stable_mosaic.version = 14 : i64} {
  func.func @_sc_edge(%arg0: i32, %arg1: i32, %arg2: memref<320000xi32, #tpu.memory_space<hbm>>, %arg3: memref<320000xi32, #tpu.memory_space<hbm>>, %arg4: memref<10000xf32, #tpu.memory_space<hbm>>, %arg5: memref<10000xf32, #tpu.memory_space<hbm>>, %arg6: memref<320000xf32, #tpu.memory_space<hbm>>, %arg7: memref<2x640x16xf32, #tpu.memory_space<hbm>>, %arg8: memref<10000xf32, #tpu.memory_space<vmem>>, %arg9: memref<10000xf32, #tpu.memory_space<vmem>>, %arg10: memref<10000xi32, #tpu.memory_space<vmem>>, %arg11: memref<10000xi32, #tpu.memory_space<vmem>>, %arg12: memref<10000xf32, #tpu.memory_space<vmem>>, %arg13: memref<640x16xf32, #tpu.memory_space<vmem>>, %arg14: memref<640xi32, #tpu.memory_space<vmem>>, %arg15: memref<640x16xf32, #tpu.memory_space<vmem_shared>>, %arg16: memref<!tpu.dma_semaphore, #tpu.memory_space<semaphore_mem>>) attributes {dimension_semantics = [#tpu.dimension_semantics<core_parallel>, #tpu.dimension_semantics<subcore_parallel>], iteration_bounds = array<i64: 2, 16>, scalar_prefetch = 0 : i64, scratch_operands = 9 : i64, tpu.core_type = #tpu.core_type<sc_vector_subcore>, window_params = [{transform_indices = #map}, {transform_indices = #map}, {transform_indices = #map}, {transform_indices = #map}, {transform_indices = #map}, {transform_indices = #map1}]} {
    %mul3A = arith.constant 2 : i32
    %mul3A_0 = arith.muli %arg1, %mul3A : i32
    %add3A = arith.addi %mul3A_0, %arg0 : i32
    %mul3A_1 = arith.constant 10000 : i32
    %mul3A_2 = arith.muli %add3A, %mul3A_1 : i32
    tpu.enqueue_dma source(%arg4 : memref<10000xf32, #tpu.memory_space<hbm>>) target(%arg8 : memref<10000xf32, #tpu.memory_space<vmem>>) target_semaphore(%arg16 : memref<!tpu.dma_semaphore, #tpu.memory_space<semaphore_mem>>)
    tpu.enqueue_dma source(%arg5 : memref<10000xf32, #tpu.memory_space<hbm>>) target(%arg9 : memref<10000xf32, #tpu.memory_space<vmem>>) target_semaphore(%arg16 : memref<!tpu.dma_semaphore, #tpu.memory_space<semaphore_mem>>)
    %dma_start3A = tpu.memref_slice %arg2[%mul3A_2] : memref<320000xi32, #tpu.memory_space<hbm>> -> memref<10000xi32, #tpu.memory_space<hbm>>
    %dma_start3A_3 = tpu.memref_slice %arg2[%mul3A_2] : memref<320000xi32, #tpu.memory_space<hbm>> -> memref<10000xi32, #tpu.memory_space<hbm>>
    tpu.enqueue_dma source(%dma_start3A_3 : memref<10000xi32, #tpu.memory_space<hbm>>) target(%arg10 : memref<10000xi32, #tpu.memory_space<vmem>>) target_semaphore(%arg16 : memref<!tpu.dma_semaphore, #tpu.memory_space<semaphore_mem>>)
    %dma_start3A_4 = tpu.memref_slice %arg3[%mul3A_2] : memref<320000xi32, #tpu.memory_space<hbm>> -> memref<10000xi32, #tpu.memory_space<hbm>>
    %dma_start3A_5 = tpu.memref_slice %arg3[%mul3A_2] : memref<320000xi32, #tpu.memory_space<hbm>> -> memref<10000xi32, #tpu.memory_space<hbm>>
    tpu.enqueue_dma source(%dma_start3A_5 : memref<10000xi32, #tpu.memory_space<hbm>>) target(%arg11 : memref<10000xi32, #tpu.memory_space<vmem>>) target_semaphore(%arg16 : memref<!tpu.dma_semaphore, #tpu.memory_space<semaphore_mem>>)
    tpu.wait_dma2 semaphore(%arg16 : memref<!tpu.dma_semaphore, #tpu.memory_space<semaphore_mem>>) src(%arg4 : memref<10000xf32, #tpu.memory_space<hbm>>) dst(%arg8 : memref<10000xf32, #tpu.memory_space<vmem>>)
    tpu.wait_dma2 semaphore(%arg16 : memref<!tpu.dma_semaphore, #tpu.memory_space<semaphore_mem>>) src(%arg5 : memref<10000xf32, #tpu.memory_space<hbm>>) dst(%arg9 : memref<10000xf32, #tpu.memory_space<vmem>>)
    %dma_wait3A = tpu.memref_slice %arg2[%mul3A_2] : memref<320000xi32, #tpu.memory_space<hbm>> -> memref<10000xi32, #tpu.memory_space<hbm>>
    %dma_wait3A_6 = tpu.memref_slice %arg2[%mul3A_2] : memref<320000xi32, #tpu.memory_space<hbm>> -> memref<10000xi32, #tpu.memory_space<hbm>>
    tpu.wait_dma2 semaphore(%arg16 : memref<!tpu.dma_semaphore, #tpu.memory_space<semaphore_mem>>) src(%dma_wait3A_6 : memref<10000xi32, #tpu.memory_space<hbm>>) dst(%arg10 : memref<10000xi32, #tpu.memory_space<vmem>>)
    %dma_wait3A_7 = tpu.memref_slice %arg3[%mul3A_2] : memref<320000xi32, #tpu.memory_space<hbm>> -> memref<10000xi32, #tpu.memory_space<hbm>>
    %dma_wait3A_8 = tpu.memref_slice %arg3[%mul3A_2] : memref<320000xi32, #tpu.memory_space<hbm>> -> memref<10000xi32, #tpu.memory_space<hbm>>
    tpu.wait_dma2 semaphore(%arg16 : memref<!tpu.dma_semaphore, #tpu.memory_space<semaphore_mem>>) src(%dma_wait3A_8 : memref<10000xi32, #tpu.memory_space<hbm>>) dst(%arg11 : memref<10000xi32, #tpu.memory_space<vmem>>)
    %broadcast_in_dim3A = arith.constant 0.000000e+00 : f32
    %broadcast_in_dim3A_9 = vector.broadcast %broadcast_in_dim3A : f32 to vector<16xf32>
    %iota3A = tpu.iota {dimensions = array<i32: 0>} : vector<16xi32>
    %parallel_loop3A = arith.constant 0 : i32
    %parallel_loop3A_10 = arith.constant 640 : i32
    %parallel_loop3A_11 = arith.constant 1 : i32
    scf.for %parallel_loop3A_23 = %parallel_loop3A to %parallel_loop3A_10 step %parallel_loop3A_11  : i32 {
      %parallel_loop3A_24 = arith.index_cast %parallel_loop3A_23 : i32 to index
      %parallel_loop3A_25 = arith.constant 0 : index
      %parallel_loop3A_26 = tpu.vector_load %arg13[%parallel_loop3A_24, %parallel_loop3A_25] {strides = array<i32>} : memref<640x16xf32, #tpu.memory_space<vmem>>, vector<16xf32>,
      tpu.vector_store %arg13[%parallel_loop3A_24, %parallel_loop3A_25], %broadcast_in_dim3A_9 {strides = array<i32>} : memref<640x16xf32, #tpu.memory_space<vmem>>, vector<16xf32>,
      %parallel_loop3A_27 = arith.constant 16 : i32
      %parallel_loop3A_28 = arith.muli %parallel_loop3A_23, %parallel_loop3A_27 : i32
      %parallel_loop3A_29 = vector.broadcast %parallel_loop3A_28 : i32 to vector<16xi32>
      %parallel_loop3A_30 = arith.addi %iota3A, %parallel_loop3A_29 : vector<16xi32>
      %parallel_loop3A_31 = arith.constant 16 : i32
      %parallel_loop3A_32 = arith.muli %parallel_loop3A_23, %parallel_loop3A_31 : i32
      %parallel_loop3A_33 = arith.index_cast %parallel_loop3A_32 : i32 to index
      %parallel_loop3A_34 = tpu.vector_load %arg14[%parallel_loop3A_33] {strides = array<i32>} : memref<640xi32, #tpu.memory_space<vmem>>, vector<16xi32>,
      tpu.vector_store %arg14[%parallel_loop3A_33], %parallel_loop3A_30 {strides = array<i32>} : memref<640xi32, #tpu.memory_space<vmem>>, vector<16xi32>,
    } {sc.loop_unroll_factor = 8 : i64, sc.parallel_access}
    %eq3A = arith.constant 0 : i32
    %eq3A_12 = arith.cmpi eq, %arg1, %eq3A : i32
    %convert_element_type3A = arith.extui %eq3A_12 : i1 to i32
    %cond3A = arith.constant 0 : i32
    %cond3A_13 = arith.cmpi ne, %convert_element_type3A, %cond3A : i32
    scf.if %cond3A_13 {
      "tpu.region"() ({
        %run_scoped3A = tpu.sem_alloc : memref<!tpu.dma_semaphore, #tpu.memory_space<semaphore_mem>>
        tpu.enqueue_dma source(%arg13 : memref<640x16xf32, #tpu.memory_space<vmem>>) target(%arg15 : memref<640x16xf32, #tpu.memory_space<vmem_shared>>) target_semaphore(%run_scoped3A : memref<!tpu.dma_semaphore, #tpu.memory_space<semaphore_mem>>)
        tpu.wait_dma2 semaphore(%run_scoped3A : memref<!tpu.dma_semaphore, #tpu.memory_space<semaphore_mem>>) src(%arg13 : memref<640x16xf32, #tpu.memory_space<vmem>>) dst(%arg15 : memref<640x16xf32, #tpu.memory_space<vmem_shared>>)
        tpu.yield
      }) : () -> ()
    } else {
    }
    %barrier3A = arith.constant 0 : index
    tpu.barrier barrier_id(%barrier3A)
    %parallel_loop3A_14 = arith.constant 0 : i32
    %parallel_loop3A_15 = arith.constant 625 : i32
    %parallel_loop3A_16 = arith.constant 1 : i32
    scf.for %parallel_loop3A_23 = %parallel_loop3A_14 to %parallel_loop3A_15 step %parallel_loop3A_16  : i32 {
      %parallel_loop3A_24 = arith.constant 16 : i32
      %parallel_loop3A_25 = arith.muli %parallel_loop3A_23, %parallel_loop3A_24 : i32
      %parallel_loop3A_26 = arith.index_cast %parallel_loop3A_25 : i32 to index
      %parallel_loop3A_27 = tpu.vector_load %arg10[%parallel_loop3A_26] {strides = array<i32>} : memref<10000xi32, #tpu.memory_space<vmem>>, vector<16xi32>,
      %parallel_loop3A_28 = arith.index_cast %parallel_loop3A_25 : i32 to index
      %parallel_loop3A_29 = tpu.vector_load %arg11[%parallel_loop3A_28] {strides = array<i32>} : memref<10000xi32, #tpu.memory_space<vmem>>, vector<16xi32>,
      %parallel_loop3A_30 = tpu.vector_load_idx %arg8[%parallel_loop3A_27] : memref<10000xf32, #tpu.memory_space<vmem>>[vector<16xi32>], vector<16xf32>,
      %parallel_loop3A_31 = tpu.vector_load_idx %arg9[%parallel_loop3A_29] : memref<10000xf32, #tpu.memory_space<vmem>>[vector<16xi32>], vector<16xf32>,
      %parallel_loop3A_32 = arith.addf %parallel_loop3A_30, %parallel_loop3A_31 : vector<16xf32>
      %parallel_loop3A_33 = arith.constant 2.000000e-01 : f32
      %parallel_loop3A_34 = vector.broadcast %parallel_loop3A_33 : f32 to vector<16xf32>
      %parallel_loop3A_35 = arith.mulf %parallel_loop3A_34, %parallel_loop3A_32 : vector<16xf32>
      %parallel_loop3A_36 = arith.maximumf %parallel_loop3A_32, %parallel_loop3A_35 : vector<16xf32>
      %parallel_loop3A_37 = math.exp %parallel_loop3A_36 : vector<16xf32>
      %parallel_loop3A_38 = arith.index_cast %parallel_loop3A_25 : i32 to index
      %parallel_loop3A_39 = tpu.vector_load %arg12[%parallel_loop3A_38] {strides = array<i32>} : memref<10000xf32, #tpu.memory_space<vmem>>, vector<16xf32>,
      tpu.vector_store %arg12[%parallel_loop3A_38], %parallel_loop3A_37 {strides = array<i32>} : memref<10000xf32, #tpu.memory_space<vmem>>, vector<16xf32>,
      %parallel_loop3A_40 = arith.constant 4 : i32
      %parallel_loop3A_41 = vector.broadcast %parallel_loop3A_40 : i32 to vector<16xi32>
      %parallel_loop3A_42 = arith.shrui %parallel_loop3A_29, %parallel_loop3A_41 : vector<16xi32>
      %parallel_loop3A_43 = arith.constant 15 : i32
      %parallel_loop3A_44 = vector.broadcast %parallel_loop3A_43 : i32 to vector<16xi32>
      %parallel_loop3A_45 = arith.andi %parallel_loop3A_29, %parallel_loop3A_44 : vector<16xi32>
      tpu.vector_store_idx %arg13[%parallel_loop3A_42, %parallel_loop3A_45], %parallel_loop3A_37 {add = true} : memref<640x16xf32, #tpu.memory_space<vmem>>[vector<16xi32>, vector<16xi32>], vector<16xf32>,
    } {sc.loop_unroll_factor = 5 : i64, sc.parallel_access}
    "tpu.region"() ({
      %run_scoped3A = tpu.sem_alloc : memref<!tpu.dma_semaphore, #tpu.memory_space<semaphore_mem>>
      %dma_start3A_23 = tpu.memref_slice %arg6[%mul3A_2] : memref<320000xf32, #tpu.memory_space<hbm>> -> memref<10000xf32, #tpu.memory_space<hbm>>
      %dma_start3A_24 = tpu.memref_slice %arg6[%mul3A_2] : memref<320000xf32, #tpu.memory_space<hbm>> -> memref<10000xf32, #tpu.memory_space<hbm>>
      tpu.enqueue_dma source(%arg12 : memref<10000xf32, #tpu.memory_space<vmem>>) target(%dma_start3A_24 : memref<10000xf32, #tpu.memory_space<hbm>>) target_semaphore(%run_scoped3A : memref<!tpu.dma_semaphore, #tpu.memory_space<semaphore_mem>>)
      %dma_wait3A_25 = tpu.memref_slice %arg6[%mul3A_2] : memref<320000xf32, #tpu.memory_space<hbm>> -> memref<10000xf32, #tpu.memory_space<hbm>>
      %dma_wait3A_26 = tpu.memref_slice %arg6[%mul3A_2] : memref<320000xf32, #tpu.memory_space<hbm>> -> memref<10000xf32, #tpu.memory_space<hbm>>
      tpu.wait_dma2 semaphore(%run_scoped3A : memref<!tpu.dma_semaphore, #tpu.memory_space<semaphore_mem>>) src(%arg12 : memref<10000xf32, #tpu.memory_space<vmem>>) dst(%dma_wait3A_26 : memref<10000xf32, #tpu.memory_space<hbm>>)
      tpu.yield
    }) : () -> ()
    "tpu.region"() ({
      %run_scoped3A = tpu.sem_alloc : memref<!tpu.dma_semaphore, #tpu.memory_space<semaphore_mem>>
      %dma_start3A_23 = arith.constant 0 : i32
      %dma_start3A_24 = arith.constant 0 : i32
      %dma_start3A_25 = tpu.memref_slice %arg15[%dma_start3A_23, %dma_start3A_24] : memref<640x16xf32, #tpu.memory_space<vmem_shared>> -> memref<640x16xf32, #tpu.memory_space<vmem_shared>>
      tpu.enqueue_indirect_dma source(%arg13 : memref<640x16xf32, #tpu.memory_space<vmem>>) target(%dma_start3A_25 : memref<640x16xf32, #tpu.memory_space<vmem_shared>>) offsets(%arg14 : memref<640xi32, #tpu.memory_space<vmem>>) semaphore(%run_scoped3A : memref<!tpu.dma_semaphore, #tpu.memory_space<semaphore_mem>>) {add = true}
      %dma_wait3A_26 = arith.constant 0 : i32
      %dma_wait3A_27 = arith.constant 0 : i32
      %dma_wait3A_28 = tpu.memref_slice %arg15[%dma_wait3A_26, %dma_wait3A_27] : memref<640x16xf32, #tpu.memory_space<vmem_shared>> -> memref<640x16xf32, #tpu.memory_space<vmem_shared>>
      tpu.wait_indirect_dma semaphore(%run_scoped3A : memref<!tpu.dma_semaphore, #tpu.memory_space<semaphore_mem>>) src(%arg13 : memref<640x16xf32, #tpu.memory_space<vmem>>) dst(%dma_wait3A_28 : memref<640x16xf32, #tpu.memory_space<vmem_shared>>)
      tpu.yield
    }) : () -> ()
    %barrier3A_17 = arith.constant 0 : index
    tpu.barrier barrier_id(%barrier3A_17)
    %eq3A_18 = arith.constant 0 : i32
    %eq3A_19 = arith.cmpi eq, %arg1, %eq3A_18 : i32
    %convert_element_type3A_20 = arith.extui %eq3A_19 : i1 to i32
    %cond3A_21 = arith.constant 0 : i32
    %cond3A_22 = arith.cmpi ne, %convert_element_type3A_20, %cond3A_21 : i32
    scf.if %cond3A_22 {
      "tpu.region"() ({
        %run_scoped3A = tpu.sem_alloc : memref<!tpu.dma_semaphore, #tpu.memory_space<semaphore_mem>>
        tpu.enqueue_dma source(%arg15 : memref<640x16xf32, #tpu.memory_space<vmem_shared>>) target(%arg13 : memref<640x16xf32, #tpu.memory_space<vmem>>) target_semaphore(%run_scoped3A : memref<!tpu.dma_semaphore, #tpu.memory_space<semaphore_mem>>)
        tpu.wait_dma2 semaphore(%run_scoped3A : memref<!tpu.dma_semaphore, #tpu.memory_space<semaphore_mem>>) src(%arg15 : memref<640x16xf32, #tpu.memory_space<vmem_shared>>) dst(%arg13 : memref<640x16xf32, #tpu.memory_space<vmem>>)
        tpu.yield
      }) : () -> ()
      "tpu.region"() ({
        %run_scoped3A = tpu.sem_alloc : memref<!tpu.dma_semaphore, #tpu.memory_space<semaphore_mem>>
        %dma_start3A_23 = arith.constant 0 : i32
        %dma_start3A_24 = arith.constant 0 : i32
        %dma_start3A_25 = tpu.memref_slice %arg7[%arg0, %dma_start3A_23, %dma_start3A_24] : memref<2x640x16xf32, #tpu.memory_space<hbm>> -> memref<1x640x16xf32, #tpu.memory_space<hbm>>
        %dma_start3A_26 = tpu.memref_squeeze %dma_start3A_25 : memref<1x640x16xf32, #tpu.memory_space<hbm>> -> memref<640x16xf32, #tpu.memory_space<hbm>>
        %dma_start3A_27 = arith.constant 0 : i32
        %dma_start3A_28 = arith.constant 0 : i32
        %dma_start3A_29 = tpu.memref_slice %arg7[%arg0, %dma_start3A_27, %dma_start3A_28] : memref<2x640x16xf32, #tpu.memory_space<hbm>> -> memref<1x640x16xf32, #tpu.memory_space<hbm>>
        %dma_start3A_30 = tpu.memref_squeeze %dma_start3A_29 : memref<1x640x16xf32, #tpu.memory_space<hbm>> -> memref<640x16xf32, #tpu.memory_space<hbm>>
        tpu.enqueue_dma source(%arg13 : memref<640x16xf32, #tpu.memory_space<vmem>>) target(%dma_start3A_30 : memref<640x16xf32, #tpu.memory_space<hbm>>) target_semaphore(%run_scoped3A : memref<!tpu.dma_semaphore, #tpu.memory_space<semaphore_mem>>)
        %dma_wait3A_31 = arith.constant 0 : i32
        %dma_wait3A_32 = arith.constant 0 : i32
        %dma_wait3A_33 = tpu.memref_slice %arg7[%arg0, %dma_wait3A_31, %dma_wait3A_32] : memref<2x640x16xf32, #tpu.memory_space<hbm>> -> memref<1x640x16xf32, #tpu.memory_space<hbm>>
        %dma_wait3A_34 = tpu.memref_squeeze %dma_wait3A_33 : memref<1x640x16xf32, #tpu.memory_space<hbm>> -> memref<640x16xf32, #tpu.memory_space<hbm>>
        %dma_wait3A_35 = arith.constant 0 : i32
        %dma_wait3A_36 = arith.constant 0 : i32
        %dma_wait3A_37 = tpu.memref_slice %arg7[%arg0, %dma_wait3A_35, %dma_wait3A_36] : memref<2x640x16xf32, #tpu.memory_space<hbm>> -> memref<1x640x16xf32, #tpu.memory_space<hbm>>
        %dma_wait3A_38 = tpu.memref_squeeze %dma_wait3A_37 : memref<1x640x16xf32, #tpu.memory_space<hbm>> -> memref<640x16xf32, #tpu.memory_space<hbm>>
        tpu.wait_dma2 semaphore(%run_scoped3A : memref<!tpu.dma_semaphore, #tpu.memory_space<semaphore_mem>>) src(%arg13 : memref<640x16xf32, #tpu.memory_space<vmem>>) dst(%dma_wait3A_38 : memref<640x16xf32, #tpu.memory_space<hbm>>)
        tpu.yield
      }) : () -> ()
    } else {
    }
    return
  }
}

module attributes {stable_mosaic.version = 14 : i64} {
  func.func @_tc_sd_body(%arg0: memref<10000x128xf32, #tpu.memory_space<vmem>>, %arg1: memref<128x128xf32, #tpu.memory_space<vmem>>, %arg2: memref<128x2xf32, #tpu.memory_space<vmem>>, %arg3: memref<10000x1xf32, #tpu.memory_space<vmem>>, %arg4: memref<10000x1xf32, #tpu.memory_space<vmem>>) attributes {dimension_semantics = [], scalar_prefetch = 0 : i64, scratch_operands = 0 : i64, tpu.core_type = #tpu.core_type<tc>} {
    %get3A = arith.constant 0 : index
    %get3A_0 = arith.constant 0 : index
    %get3A_1 = vector.load %arg1[%get3A, %get3A_0] : memref<128x128xf32, #tpu.memory_space<vmem>>, vector<128x128xf32>
    %get3A_2 = arith.constant 0 : index
    %get3A_3 = arith.constant 0 : index
    %get3A_4 = vector.load %arg2[%get3A_2, %get3A_3] : memref<128x2xf32, #tpu.memory_space<vmem>>, vector<128x2xf32>
    %dot_general3A = arith.constant dense<0.000000e+00> : vector<128x2xf32>
    %dot_general3A_5 = tpu.matmul %get3A_1, %get3A_4, %dot_general3A {dimension_numbers = #tpu.dot_dimension_numbers<[1], [0], [0], [1], [0, 0, 1, 1], [], []>, transpose_lhs_hint = false} : vector<128x128xf32>, vector<128x2xf32>, vector<128x2xf32> -> vector<128x2xf32>
    %get3A_6 = arith.constant 0 : index
    %get3A_7 = arith.constant 0 : index
    %get3A_8 = vector.load %arg0[%get3A_6, %get3A_7] : memref<10000x128xf32, #tpu.memory_space<vmem>>, vector<10000x128xf32>
    %dot_general3A_9 = arith.constant dense<0.000000e+00> : vector<10000x2xf32>
    %dot_general3A_10 = tpu.matmul %get3A_8, %dot_general3A_5, %dot_general3A_9 {dimension_numbers = #tpu.dot_dimension_numbers<[1], [0], [0], [1], [0, 0, 1, 1], [], []>, transpose_lhs_hint = false} : vector<10000x128xf32>, vector<128x2xf32>, vector<10000x2xf32> -> vector<10000x2xf32>
    %slice3A = vector.extract_strided_slice %dot_general3A_10 {offsets = [0, 0], sizes = [10000, 1], strides = [1, 1]} : vector<10000x2xf32> to vector<10000x1xf32>
    %swap3A = arith.constant 0 : index
    %swap3A_11 = arith.constant 0 : index
    %swap3A_12 = vector.load %arg3[%swap3A, %swap3A_11] : memref<10000x1xf32, #tpu.memory_space<vmem>>, vector<10000x1xf32>
    tpu.vector_store %arg3[%swap3A, %swap3A_11], %slice3A {strides = array<i32>} : memref<10000x1xf32, #tpu.memory_space<vmem>>, vector<10000x1xf32>,
    %slice3A_13 = vector.extract_strided_slice %dot_general3A_10 {offsets = [0, 1], sizes = [10000, 1], strides = [1, 1]} : vector<10000x2xf32> to vector<10000x1xf32>
    %swap3A_14 = arith.constant 0 : index
    %swap3A_15 = arith.constant 0 : index
    %swap3A_16 = vector.load %arg4[%swap3A_14, %swap3A_15] : memref<10000x1xf32, #tpu.memory_space<vmem>>, vector<10000x1xf32>
    tpu.vector_store %arg4[%swap3A_14, %swap3A_15], %slice3A_13 {strides = array<i32>} : memref<10000x1xf32, #tpu.memory_space<vmem>>, vector<10000x1xf32>,
    return
  }
}

module attributes {stable_mosaic.version = 14 : i64} {
  func.func @_tc_h_body(%arg0: memref<10000x128xf32, #tpu.memory_space<vmem>>, %arg1: memref<128x128xf32, #tpu.memory_space<vmem>>, %arg2: memref<128x10000xf32, #tpu.memory_space<vmem>>) attributes {dimension_semantics = [], scalar_prefetch = 0 : i64, scratch_operands = 0 : i64, tpu.core_type = #tpu.core_type<tc>} {
    %get3A = arith.constant 0 : index
    %get3A_0 = arith.constant 0 : index
    %get3A_1 = vector.load %arg0[%get3A, %get3A_0] : memref<10000x128xf32, #tpu.memory_space<vmem>>, vector<10000x128xf32>
    %get3A_2 = arith.constant 0 : index
    %get3A_3 = arith.constant 0 : index
    %get3A_4 = vector.load %arg1[%get3A_2, %get3A_3] : memref<128x128xf32, #tpu.memory_space<vmem>>, vector<128x128xf32>
    %dot_general3A = arith.constant dense<0.000000e+00> : vector<10000x128xf32>
    %dot_general3A_5 = tpu.matmul %get3A_1, %get3A_4, %dot_general3A {dimension_numbers = #tpu.dot_dimension_numbers<[1], [0], [0], [1], [0, 0, 1, 1], [], []>, transpose_lhs_hint = false} : vector<10000x128xf32>, vector<128x128xf32>, vector<10000x128xf32> -> vector<10000x128xf32>
    %transpose3A = tpu.transpose %dot_general3A_5, [1, 0] : vector<10000x128xf32> -> vector<128x10000xf32>
    %swap3A = arith.constant 0 : index
    %swap3A_6 = arith.constant 0 : index
    %swap3A_7 = vector.load %arg2[%swap3A, %swap3A_6] : memref<128x10000xf32, #tpu.memory_space<vmem>>, vector<128x10000xf32>
    tpu.vector_store %arg2[%swap3A, %swap3A_6], %transpose3A {strides = array<i32>} : memref<128x10000xf32, #tpu.memory_space<vmem>>, vector<128x10000xf32>,
    return
  }
}

</mosaic_0001>

<sc_bundles>
// kernel: kernel.6.cloned.1.call-start
scs
__scs_entry_jumppad:
0x0: {  	(pc) =	sbr.rel $0x88, $3  }
0x1: {  	(tag) =	ssettag $0x0;
	lr =	simm.s32 $0x1  }
0x2: {  	[smem:$0x3F9C] =	sst lr;
	_ =	strace $0xD0000000  }
0x3: {  	_ = 	snop  }
0x4: {  	_ = 	snop  }
0x5: {  	_ = 	snop  }
0x6: {  	_ = 	snop  }
0x7: {  	_ = 	snop  }
__scs_overlays_trampoline_lowered:
0x8: {  	[smem:$0x3FAB] =	sst s0  }
0x9: {  	[smem:$0x3FAC] =	sst s1  }
0xa: {  	[smem:$0x3FAD] =	sst s2  }
0xb: {  	[smem:$0x3FAE] =	sst s3  }
0xc: {  	[smem:$0x3FAF] =	sst s4  }
0xd: {  	[smem:$0x3FB0] =	sst s5  }
0xe: {  	[smem:$0x3FB1] =	sst s6  }
0xf: {  	[smem:$0x3FB2] =	sst s7  }
0x10: {  	[smem:$0x3FB3] =	sst s8  }
0x11: {  	[smem:$0x3FB4] =	sst s9;
	s0 =	simm.s32 @!p0 $0x0  }
0x12: {  	s1 =	sld [smem:$0x3F9A];
	s0 =	simm.s32 @p0 $0x1  }
0x13: {  	[smem:$0x3FB5] =	sst s0;
	s0 =	simm.s32 @!p1 $0x0  }
0x14: {  	s2 =	sld [smem:$0x3F99];
	s0 =	simm.s32 @p1 $0x1  }
0x15: {  	[smem:$0x3FB6] =	sst s0;
	s0 =	simm.s32 @!p2 $0x0  }
0x16: {  	s3 =	sld [smem:$0x3FDB];
	s0 =	simm.s32 @p2 $0x1  }
0x17: {  	s4 =	simm.s32 $0x1BF5;
	[smem:$0x3FB8] =	sst s0  }
0x18: {  	s0 =	sld [smem:$0x3F9B];
	_ =	swait.ge [sflag:s4], $0x0  }
0x19: {  	s7 =	sld [smem:$0x3F9C]  }
0x1a: {  	s8 =	sadd.s32 $0xFFFFE003, lr  }
0x1b: {  	s9 =	sadd.s32 $0xFFFFFEF7, lr;
	s5 =	simm.s32 $0xFFFFFFFF;
	p2 =	slt.u32 s8, $0xFFFFF086  }
0x1c: {  	p1 =	slt.u32 s9, $0xF7A;
	s5 =	simm.s32 @!p2 $0x0  }
0x1d: {  	s5 =	simm.s32 @p1 $0x1;
	p0 =	seq.s32 s7, s2  }
0x1e: {  	s7 =	smul.u32 @!p0 $0xF7A, s2;
	p2 =	seq.s32 @!p0 s5, $0x0  }
0x1f: {  	s9 =	smul.u32 $0xF7A, s1;
	s8 =	simm.s32 @!p0 $0x1BF5;
	p2 =	por !p2, p0  }
0x20: {  	[sflag:s8] =	ssyncset.s32 @!p0 $0xFFFFF086;
	s6 =	sadd.s32 @!p0 s3, s7;
	s7 =	simm.s32 @!p0 $0x108  }
0x21: {  	s3 =	sadd.s32 s3, s9;
	s6 =	sadd.s32 @!p0 $0x88, s6;
	s7 =	simm.s32 @p2 $0x1082  }
0x22: {  	[simem:s7], [sflag:s8] =	dma.local @!p0 [hbm:s6], $0xF7A  }
0x23: {  	s9 =	sor.u32 $0xD0000000, s2;
	s6 =	simm.s32 $0x108;
	_ =	swait.ge @!p0 [sflag:s8], $0x0  }
0x24: {  	s3 =	sadd.s32 $0x88, s3;
	s6 =	simm.s32 @!p1 $0x1082;
	[sflag:s4] =	ssyncset.s32 $0xFFFFF086  }
0x25: {  	[simem:s6], [sflag:s4] =	dma.local [hbm:s3], $0xF7A  }
0x26: {  	[smem:$0x3F9C] =	sst s1;
	(tag) =	ssettag s2;
	_ =	strace s9  }
0x27: {  	s1 =	sld [smem:$0x3FAC]  }
0x28: {  	s2 =	sld [smem:$0x3FAD]  }
0x29: {  	s4 =	sld [smem:$0x3FAF]  }
0x2a: {  	p0 =	seq.s32 s5, $0x0;
	s5 =	sld [smem:$0x3FB0]  }
0x2b: {  	s6 =	sld [smem:$0x3FB1]  }
0x2c: {  	s7 =	sld [smem:$0x3FB2]  }
0x2d: {  	s3 =	simm.s32 $0x108;
	s8 =	sld [smem:$0x3FB3]  }
0x2e: {  	s3 =	simm.s32 @!p0 $0x1082;
	s9 =	sld [smem:$0x3FB4]  }
0x2f: {  	lr =	sadd.s32 s0, s3;
	s0 =	sld [smem:$0x3FAB]  }
0x30: {  	s3 =	sld [smem:$0x3FAE]  }
0x31: {  	[smem:$0x3FB7] =	sst s10  }
0x32: {  	s10 =	sld [smem:$0x3FB5];
	_ =	sdelay $0x3  }
0x33: {  	p0 =	seq.s32 s10, $0x1;
	s10 =	sld [smem:$0x3FB7];
	_ =	sdelay $0x3  }
0x34: {  	[smem:$0x3FB7] =	sst s10  }
0x35: {  	s10 =	sld [smem:$0x3FB6];
	_ =	sdelay $0x3  }
0x36: {  	p1 =	seq.s32 s10, $0x1;
	s10 =	sld [smem:$0x3FB7];
	_ =	sdelay $0x3  }
0x37: {  	[smem:$0x3FB7] =	sst s10  }
0x38: {  	s10 =	sld [smem:$0x3FB8]  }
0x39: {  	_ = 	snop;
	(pc) =	sbr.ind lr, $3  }
0x3a: {  	_ = 	snop  }
0x3b: {  	_ = 	snop  }
0x3c: {  	p2 =	seq.s32 s10, $0x1;
	s10 =	sld [smem:$0x3FB7]  }
0x3d: {  	_ =	shalt  }
0x3e: {  	_ =	shalt  }
0x3f: {  	_ =	shalt  }
0x40: {  	_ =	shalt  }
0x41: {  	_ =	shalt  }
0x42: {  	_ =	shalt  }
0x43: {  	_ =	shalt  }
0x44: {  	_ =	shalt  }
0x45: {  	_ =	shalt  }
0x46: {  	_ =	shalt  }
0x47: {  	_ =	shalt  }
0x48: {  	_ =	shalt  }
0x49: {  	_ =	shalt  }
0x4a: {  	_ =	shalt  }
0x4b: {  	_ =	shalt  }
0x4c: {  	_ =	shalt  }
0x4d: {  	_ =	shalt  }
0x4e: {  	_ =	shalt  }
0x4f: {  	_ =	shalt  }
0x50: {  	_ =	shalt  }
0x51: {  	_ =	shalt  }
0x52: {  	_ =	shalt  }
0x53: {  	_ =	shalt  }
0x54: {  	_ =	shalt  }
0x55: {  	_ =	shalt  }
0x56: {  	_ =	shalt  }
0x57: {  	_ =	shalt  }
0x58: {  	_ =	shalt  }
0x59: {  	_ =	shalt  }
0x5a: {  	_ =	shalt  }
0x5b: {  	_ =	shalt  }
0x5c: {  	_ =	shalt  }
0x5d: {  	_ =	shalt  }
0x5e: {  	_ =	shalt  }
0x5f: {  	_ =	shalt  }
0x60: {  	_ =	shalt  }
0x61: {  	_ =	shalt  }
0x62: {  	_ =	shalt  }
0x63: {  	_ =	shalt  }
0x64: {  	_ =	shalt  }
0x65: {  	_ =	shalt  }
0x66: {  	_ =	shalt  }
0x67: {  	_ =	shalt  }
0x68: {  	_ =	shalt  }
0x69: {  	_ =	shalt  }
0x6a: {  	_ =	shalt  }
0x6b: {  	_ =	shalt  }
0x6c: {  	_ =	shalt  }
0x6d: {  	_ =	shalt  }
0x6e: {  	_ =	shalt  }
0x6f: {  	_ =	shalt  }
0x70: {  	_ =	shalt  }
0x71: {  	_ =	shalt  }
0x72: {  	_ =	shalt  }
0x73: {  	_ =	shalt  }
0x74: {  	_ =	shalt  }
0x75: {  	_ =	shalt  }
0x76: {  	_ =	shalt  }
0x77: {  	_ =	shalt  }
0x78: {  	_ =	shalt  }
0x79: {  	_ =	shalt  }
0x7a: {  	_ =	shalt  }
0x7b: {  	_ =	shalt  }
0x7c: {  	_ =	shalt  }
0x7d: {  	_ =	shalt  }
0x7e: {  	_ =	shalt  }
0x7f: {  	_ =	shalt  }
0x80: {  	_ =	shalt  }
0x81: {  	_ =	shalt  }
0x82: {  	_ =	shalt  }
0x83: {  	_ =	shalt  }
0x84: {  	_ =	shalt  }
0x85: {  	_ =	shalt  }
0x86: {  	_ =	shalt  }
0x87: {  	_ =	shalt  }
.Lfunc_end0:
.L_simem_size_0:
called_computation_lowered:
.L_overlay_start_0:
0x88: {  	s2 =	sld [smem:$0x3FD9]  }
0x89: {  	s3 =	sld [smem:$0x3FFE];
	_ =	sdelay $0x1  }
0x8a: {  	s1 =	srdreg.scid  }
0x8b: {  	s0 =	sand.u32 $0x1, s1  }
0x8c: {  	s16 =	sshll.u32 s0, $0xA;
	s2 =	sadd.s32 s3, s2  }
0x8d: {  	s2 =	sadd.s32 s2, s16  }
0x8e: {  	[smem:$0x3FC3] =	sst s2  }
0x8f: {  	_ = 	snop  }
0x90: {  	(tm) =	ssettm $0x1  }
0x91: {  	s17 =	sld [smem:$0x3FFB];
	_ =	sdelay $0x3  }
0x92: {  	_ =	strace s17  }
0x93: {  	s2 =	sld [smem:$0x3FFC];
	_ =	sdelay $0x3  }
0x94: {  	_ =	strace s2  }
0x95: {  	s2 =	sld [smem:$0x3FFD];
	_ =	sdelay $0x3  }
0x96: {  	_ =	strace s2  }
0x97: {  	_ =	strace $0x8FFFFFFF  }
0x98: {  	s18 =	sld [smem:$0x3FDB];
	_ =	sdelay $0x1  }
0x99: {  	s19 =	simm.s32 $_scs_section_size  }
0x9a: {  	s4 =	simm.s32 $_size__tile_overlayer_lowered;
	s5 =	simm.s32 $_tile_overlayer_lowered  }
0x9b: {  	s22 =	simm.s32 $0x1BFF;
	s21 =	sshll.u32 s5, $0x1;
	s2 =	sadd.s32 s19, s18  }
0x9c: {  	s6 =	simm.s32 $0x0;
	s20 =	sshll.u32 s4, $0x1;
	s4 =	sadd.s32 s21, s2  }
0x9d: {  	[timem:s6], [sflag:s22] =	dma.local [hbm:s4], s20  }
0x9e: {  	_ =	swait.ge [sflag:s22], s20  }
0x9f: {  	s3 =	ssub.s32 $0x0, s20;
	[sflag:s22] =	ssyncset.done $0x0  }
0xa0: {  	[sflag:s22] =	ssyncadd.s32 s3;
	_ =	sdelay $0x1  }
0xa1: {  	s23 =	simm.s32 $0x1B8B  }
0xa2: {  	_ =	swait.ge [sflag:s23], $0x1  }
0xa3: {  	[sflag:s23] =	ssyncset.done $0x0  }
0xa4: {  	s25 =	simm.s32 $0x1B8E;
	s24 =	sld [smem:$0x3FFE];
	[sflag:s23] =	ssyncadd.s32 $0xFFFFFFFF  }
0xa5: {  	s26 =	simm.s32 $execute0_lowered;
	[smem:$0x3FD2] =	sst s25  }
0xa6: {  	s4 =	sshll.u32 s26, $0x1;
	_ =	strace $0x80000046;
	[dreg:$0x1] =	wrdreg $0xFFFFFFFF  }
0xa7: {  	s28 =	simm.s32 $_size_execute0_lowered;
	s2 =	sadd.s32 s2, s4;
	[dreg:$0x0] =	wrdreg $0x0  }
0xa8: {  	s4 =	sshll.u32 s28, $0x1;
	[dreg:$0x2] =	wrdreg s2  }
0xa9: {  	[dreg:$0x3] =	wrdreg s4  }
0xaa: {  	[dreg:$0x4] =	wrdreg $0xC0  }
0xab: {  	_ =	task [dreg:s6], $0x5FFFF  }
0xac: {  	[dreg:$0x1] =	wrdreg $0xFFFFFFFF  }
0xad: {  	[dreg:$0x0] =	wrdreg $0x60  }
0xae: {  	[dreg:$0x2] =	wrdreg s24  }
0xaf: {  	[dreg:$0x3] =	wrdreg $0xEDD00  }
0xb0: {  	[dreg:$0x4] =	wrdreg $0x9  }
0xb1: {  	_ =	task.clear_ibuf [dreg:s6], $0x5FFFF;
	_ =	strace $0x90000046  }
0xb2: {  	s29 =	simm.s32 $0x9;
	_ =	strace $0x80000048  }
0xb3: {  	_ =	swait.ge [sflag:s29], $0x1  }
0xb4: {  	[sflag:s29] =	ssyncadd.s32 $0xFFFFFFFF  }
0xb5: {  	_ =	strace $0x90000048  }
0xb6: {  	_ =	sfence  }
0xb7: {  	s30 =	sld [smem:$0x0];
	_ =	sdelay $0x2  }
0xb8: {  	s31 =	sshll.u32 s1, $0xD;
	s1 =	sshrl.u32 s1, $0x2  }
0xb9: {  	s3 =	sand.u32 $0x4000, s31;
	s1 =	sadd.s32 s1, s30  }
0xba: {  	s0 =	sor.u32 s3, s0;
	s1 =	sshll.u32 s1, $0x11  }
0xbb: {  	s0 =	sor.u32 s1, s0  }
0xbc: {  	s0 =	sadd.s32 $0x8F2B, s0  }
0xbd: {  	[sflag:s0] =	ssyncadd.remote.s32 $0x1  }
0xbe: {  	_ =	sfence.sel $0xFFFF  }
0xbf: {  	[dreg:$0x0] =	wrdreg $0xFFFFFFFF;
	(pc) =	sbr.abs _section_cstart, $3  }
0xc0: {  	[dreg:$0x1] =	wrdreg $0xFFFFFFFF  }
0xc1: {  	_ =	task.clear_ibuf [dreg:s6], $0x2FFFF;
	_ =	strace $0x9FFFFFFF  }
0xc2: {  	(tm) =	ssettm $0x7FFFFFFF  }
0xc3: {  	_ =	shalt  }
tec
execute0_lowered:
.L_overlay_start_1:
0x0: {  	(tag) =	ssettag $0x1  }
0x1: {  	s5 =	rddreg [dreg:$0x0]  }
0x2: {  	s1 =	rddreg [dreg:$0x1]  }
0x3: {  	s0 =	rddreg [dreg:$0x2]  }
0x4: {  	s3 =	srdreg.scid;
	s14 =	stileid.u32  }
0x5: {  	s2 =	simm.s32 $0x0;
	s11 =	simm.s32 $0x4E20;
	s12 =	simm.s32 $0x7530  }
0x6: {  	s13 =	simm.s32 $0x1;
	s15 =	simm.s32 $0x9C40;
	s16 =	simm.s32 $0x2  }
0x7: {  	s17 =	simm.s32 $0x280;
	s18 =	simm.s32 $0xEB50;
	s19 =	simm.s32 $0x0  }
0x8: {  	s3 =	sand.u32 $0x1, s3;
	s4 =	sshll.u32 s14, $0x1;
	[smem:$0x7FF] =	sst s2  }
0x9: {  	p0 =	sne.s32 s14, $0x0;
	s14 =	simm.s32 $0xC350;
	s6 =	smul.u32 $0x500, s3  }
0xa: {  	s4 =	sor.u32 s3, s4;
	_ =	strace $0x80000047;
	s7 =	ssub.s32 $0x2, s3  }
0xb: {  	s3 =	sadd.s32 $0x14200, s5;
	s8 =	smul.u32 $0x4E2, s4;
	s9 =	sshrl.u32 s7, $0x1  }
0xc: {  	s4 =	sadd.s32 $0x13C00, s5;
	s10 =	sadd.s32 s6, s5;
	s9 =	ssub.s32 s7, s9  }
0xd: {  	s5 =	sadd.s32 s5, s8;
	s8 =	sadd.s32 $0x1E600, s10;
	s9 =	smax.u32 s9, $0x1  }
0xe: {  	v0 =	vimm.f32 $0.0e+00;
	v1 =	vlaneseq.u32;
	s10 =	simm.s32 $0x2710;
	s6 =	sadd.s32 $0x9E00, s5;
	s7 =	sadd.s32 $0x14800, s5  }
.LBB2_1:
0xf: {  	[tilespmem:s2], [sflag:$0x1] =	stream.linear.gather [hbm4b:s3+s2], $0x2710, $0x38;
	[tilespmem:$0xF050] =	vst v63  }
0x10: {  	_ = 	snop  }
0x11: {  	[tilespmem:s10], [sflag:$0x1] =	stream.linear.gather [hbm4b:s4+s2], $0x2710, $0x38;
	[tilespmem:$0xF050] =	vst v63  }
0x12: {  	_ = 	snop  }
0x13: {  	[tilespmem:s11], [sflag:$0x1] =	stream.linear.gather [hbm4b:s6+s2], $0x2710, $0x38;
	[tilespmem:$0xF050] =	vst v63  }
0x14: {  	_ = 	snop  }
0x15: {  	[tilespmem:s12], [sflag:$0x1] =	stream.linear.gather [hbm4b:s5+s2], $0x2710, $0x38;
	[tilespmem:$0xF050] =	vst v63  }
0x16: {  	_ =	swait.ge [sflag:s13], $0x2710  }
0x17: {  	[sflag:s13] =	ssyncset.done $0x0  }
0x18: {  	[sflag:s13] =	ssyncadd.s32 $0xFFFFD8F0  }
0x19: {  	_ =	swait.ge [sflag:s13], $0x2710  }
0x1a: {  	[sflag:s13] =	ssyncset.done $0x0  }
0x1b: {  	[sflag:s13] =	ssyncadd.s32 $0xFFFFD8F0  }
0x1c: {  	_ =	swait.ge [sflag:s13], $0x2710  }
0x1d: {  	[sflag:s13] =	ssyncset.done $0x0  }
0x1e: {  	[sflag:s13] =	ssyncadd.s32 $0xFFFFD8F0  }
0x1f: {  	_ =	swait.ge [sflag:s13], $0x2710  }
0x20: {  	[sflag:s13] =	ssyncset.done $0x0  }
0x21: {  	s20 =	simm.s32 $0xC390;
	[sflag:s13] =	ssyncadd.s32 $0xFFFFD8F0  }
0x22: {  	[tilespmem:s20+$0xFFFFFFC0] =	vst v0  }
0x23: {  	[tilespmem:s20+$0x30] =	vst v0  }
0x24: {  	[tilespmem:s20+$0x10] =	vst v0  }
0x25: {  	[tilespmem:s20+$0xFFFFFFE0] =	vst v0  }
0x26: {  	[tilespmem:s20+$0x20] =	vst v0  }
0x27: {  	[tilespmem:s20+$0xFFFFFFF0] =	vst v0  }
0x28: {  	s21 =	simm.s32 $0x70;
	[tilespmem:s20+$0x0] =	vst v0  }
0x29: {  	s22 =	simm.s32 $0xEB90;
	s24 =	simm.s32 $0x50;
	v2 =	vor.u32 s21, v1;
	[tilespmem:s20+$0xFFFFFFD0] =	vst v0  }
0x2a: {  	s23 =	simm.s32 $0x60;
	v3 =	vor.u32 s24, v1;
	[tilespmem:s22+$0x30] =	vst v2  }
0x2b: {  	s29 =	simm.s32 $0x30;
	v2 =	vor.u32 s23, v1;
	[tilespmem:s22+$0x10] =	vst v3  }
0x2c: {  	s26 =	simm.s32 $0x20;
	v3 =	vor.u32 s29, v1;
	[tilespmem:s22+$0x20] =	vst v2  }
0x2d: {  	s30 =	simm.s32 $0x10;
	v2 =	vor.u32 s26, v1;
	[tilespmem:s22+$0xFFFFFFF0] =	vst v3  }
0x2e: {  	s28 =	simm.s32 $0x40;
	v3 =	vor.u32 s30, v1;
	[tilespmem:s22+$0xFFFFFFE0] =	vst v2  }
0x2f: {  	s31 =	simm.s32 $0x0;
	v2 =	vor.u32 s28, v1;
	[tilespmem:s22+$0xFFFFFFD0] =	vst v3  }
0x30: {  	s24 =	simm.s32 $0xEC10;
	s23 =	simm.s32 $0x0;
	[tilespmem:s22+$0x0] =	vst v2;
	v2 =	vor.u32 s31, v1  }
.LBB2_2:
0x31: {  	s23 =	sadd.s32 $0x8, s23;
	[tilespmem:s22+$0xFFFFFFC0] =	vst v2;
	s21 =	sadd.s32 $0x80, s21;
	s20 =	sadd.s32 $0x80, s20  }
0x32: {  	s22 =	smov.u32 s24;
	[tilespmem:s20+$0xFFFFFFC0] =	vst v0;
	p1 =	slt.u32 s23, $0x278  }
0x33: {  	v2 =	vor.u32 s21, v1;
	[tilespmem:s20+$0x30] =	vst v0  }
0x34: {  	[tilespmem:s24+$0x30] =	vst v2  }
0x35: {  	[tilespmem:s20+$0x10] =	vst v0  }
0x36: {  	s25 =	sadd.s32 $0xFFFFFFF0, s21;
	[tilespmem:s20+$0xFFFFFFE0] =	vst v0  }
0x37: {  	s26 =	sadd.s32 $0xFFFFFFE0, s21;
	v2 =	vor.u32 s25, v1;
	[tilespmem:s20+$0x20] =	vst v0  }
0x38: {  	v3 =	vor.u32 s26, v1;
	s25 =	sadd.s32 $0xFFFFFFB0, s21;
	[tilespmem:s24+$0x20] =	vst v2  }
0x39: {  	v2 =	vor.u32 s25, v1;
	[tilespmem:s24+$0x10] =	vst v3  }
0x3a: {  	[tilespmem:s24+$0xFFFFFFE0] =	vst v2  }
0x3b: {  	s25 =	sadd.s32 $0xFFFFFFD0, s21;
	[tilespmem:s20+$0xFFFFFFF0] =	vst v0  }
.Ltmp0:
0x3c: {  	s26 =	sadd.s32 $0xFFFFFFC0, s21;
	v2 =	vor.u32 s25, v1;
	[tilespmem:s20+$0x0] =	vst v0;
	(pc) =	sbr.rel @p1 .LBB2_2-.Ltmp0, $4  }
0x3d: {  	v3 =	vor.u32 s26, v1;
	[tilespmem:s24+$0x0] =	vst v2  }
0x3e: {  	s25 =	sadd.s32 $0xFFFFFFA0, s21;
	[tilespmem:s24+$0xFFFFFFF0] =	vst v3  }
0x3f: {  	s26 =	sadd.s32 $0xFFFFFF90, s21;
	v3 =	vor.u32 s25, v1;
	[tilespmem:s20+$0xFFFFFFD0] =	vst v0  }
0x40: {  	v2 =	vor.u32 s26, v1;
	s24 =	sadd.s32 $0x80, s24;
	[tilespmem:s22+$0xFFFFFFD0] =	vst v3  }
0x41: {  	[tilespmem:s22+$0xFFFFFFC0] =	vst v2;
	s20 =	simm.s32 @!p0 $0xC350  }
0x42: {  	[spmem:s1] =	stream.linear.scatter @!p0 [tilespmem:s20], [sflag:$0x2], $0x2800, $0x38;
	[tilespmem:$0xF050] =	vst v63  }
0x43: {  	s20 =	simm.s32 @!p0 $0x2  }
0x44: {  	_ =	swait.ge @!p0 [sflag:s20], $0x2800  }
0x45: {  	[sflag:s20] =	ssyncset.done @!p0 $0x0  }
0x46: {  	[sflag:s20] =	ssyncadd.s32 @!p0 $0xFFFFD800  }
0x47: {  	s30 =	simm.s32 $0x4E40;
	[bflag:$0x0] =	sbarrier.arrive $0xFFFF  }
0x48: {  	s21 =	simm.s32 $0x7550;
	v2 =	vld [tilespmem:s30+$0x20]  }
0x49: {  	v6 =	vld [tilespmem:s21+$0x20]  }
0x4a: {  	v3 =	vld [tilespmem:s30+$0xFFFFFFF0]  }
0x4b: {  	v11 =	vld [tilespmem:s21+$0xFFFFFFE0]  }
0x4c: {  	v12 =	vld [tilespmem:s21+$0xFFFFFFF0]  }
0x4d: {  	v4 =	vld [tilespmem:s30+$0x0]  }
0x4e: {  	v13 =	vld [tilespmem:s21+$0x0]  }
0x4f: {  	v7 =	vld [tilespmem:s30+$0x10]  }
0x50: {  	v14 =	vld [tilespmem:s21+$0x10]  }
0x51: {  	v8 =	vld [tilespmem:s30+$0xFFFFFFE0]  }
0x52: {  	v2 =	vld.idx.msk [tilespmem:v2+s2+$0x0], $0xffff  }
0x53: {  	s31 =	simm.s32 $0x4E90;
	v5 =	vld.idx.msk [tilespmem:v6+s10+$0x0], $0xffff  }
0x54: {  	v16 =	vld [tilespmem:s31+$0x20]  }
0x55: {  	v18 =	vld [tilespmem:s31+$0x0]  }
0x56: {  	v9 =	vld.idx.msk [tilespmem:v11+s10+$0x0], $0xffff  }
0x57: {  	v3 =	vld.idx.msk [tilespmem:v3+s2+$0x0], $0xffff  }
0x58: {  	v4 =	vld.idx.msk [tilespmem:v4+s2+$0x0], $0xffff;
	v2 =	vadd.f32 v5, v2  }
0x59: {  	v15 =	vld.idx.msk [tilespmem:v13+s10+$0x0], $0xffff  }
0x5a: {  	v5 =	vld.idx.msk [tilespmem:v12+s10+$0x0], $0xffff;
	v10 =	vmul.f32 $2.000000030e-01, v2  }
0x5b: {  	v7 =	vld.idx.msk [tilespmem:v7+s2+$0x0], $0xffff  }
0x5c: {  	v8 =	vld.idx.msk [tilespmem:v8+s2+$0x0], $0xffff;
	v2 =	vmax.f32 v2, v10  }
0x5d: {  	v10 =	vld.idx.msk [tilespmem:v14+s10+$0x0], $0xffff;
	v2 =	vmul.f32 $1.442695020e+00, v2;
	_ =	sdelay $0x1  }
0x5e: {  	v3 =	vadd.f32 v5, v3;
	(erf) = vpow2.f32 v2  }
0x5f: {  	v5 =	vadd.f32 v15, v4  }
0x60: {  	v62 =	vld [tilespmem:s31+$0xFFFFFFE0];
	v17 =	vmul.f32 $2.000000030e-01, v3  }
0x61: {  	s21 =	simm.s32 $0x75A0;
	v16 =	vld.idx.msk [tilespmem:v16+s2+$0x0], $0xffff;
	v8 =	vadd.f32 v9, v8;
	v7 =	vadd.f32 v10, v7;
	v10 =	vmul.f32 $2.000000030e-01, v5  }
0x62: {  	v4 =	vld [tilespmem:s21+$0x20];
	v9 =	vmax.f32 v3, v17  }
0x63: {  	v18 =	vld.idx.msk [tilespmem:v18+s2+$0x0], $0xffff;
	v61 =	vmul.f32 $2.000000030e-01, v7;
	v5 =	vmax.f32 v5, v10;
	v10 =	vmul.f32 $2.000000030e-01, v8  }
0x64: {  	v15 =	vld [tilespmem:s31+$0xFFFFFFF0];
	v9 =	vmul.f32 $1.442695020e+00, v9  }
0x65: {  	v2 =	vld [tilespmem:s21+$0xFFFFFFE0];
	v19 =	vmul.f32 $1.442695020e+00, v5;
	v7 =	vmax.f32 v7, v61  }
0x66: {  	v3 =	vld [tilespmem:s21+$0xFFFFFFF0];
	(erf) = vpow2.f32 v9;
	v8 =	vmax.f32 v8, v10;
	v7 =	vmul.f32 $1.442695020e+00, v7  }
0x67: {  	s20 =	simm.s32 $0x9C60;
	v5 =	vld [tilespmem:s21+$0x0];
	v8 =	vmul.f32 $1.442695020e+00, v8;
	v10 =	vpop (erf);
	(erf) = vpow2.f32 v19  }
0x68: {  	v9 =	vld [tilespmem:s31+$0x10];
	[tilespmem:s20+$0x20] =	vst v10;
	(erf) = vpow2.f32 v7  }
0x69: {  	[tilespmem:v6+s14+$0x0] =	vst.idx.add.f32.msk $0xffff, v10;
	(erf) = vpow2.f32 v8  }
0x6a: {  	v8 =	vld.idx.msk [tilespmem:v4+s10+$0x0], $0xffff  }
0x6b: {  	v6 =	vld [tilespmem:s21+$0x10]  }
0x6c: {  	v15 =	vld.idx.msk [tilespmem:v15+s2+$0x0], $0xffff  }
0x6d: {  	v7 =	vld.idx.msk [tilespmem:v2+s10+$0x0], $0xffff  }
0x6e: {  	v63 =	vld.idx.msk [tilespmem:v3+s10+$0x0], $0xffff  }
0x6f: {  	v22 =	vld.idx.msk [tilespmem:v5+s10+$0x0], $0xffff;
	v20 =	vpop (erf);
	v16 =	vadd.f32 v8, v16  }
0x70: {  	[tilespmem:s20+$0xFFFFFFF0] =	vst v20;
	v8 =	vld.idx.msk [tilespmem:v9+s2+$0x0], $0xffff;
	v21 =	vpop (erf)  }
0x71: {  	[tilespmem:v12+s14+$0x0] =	vst.idx.add.f32.msk $0xffff, v20;
	v25 =	vmul.f32 $2.000000030e-01, v16;
	v23 =	vpop (erf)  }
0x72: {  	v9 =	vld.idx.msk [tilespmem:v62+s2+$0x0], $0xffff;
	[tilespmem:s20+$0x0] =	vst v21;
	v24 =	vpop (erf)  }
0x73: {  	v10 =	vld.idx.msk [tilespmem:v6+s10+$0x0], $0xffff;
	v16 =	vmax.f32 v16, v25;
	[tilespmem:s20+$0xFFFFFFE0] =	vst v24  }
0x74: {  	[tilespmem:v11+s14+$0x0] =	vst.idx.add.f32.msk $0xffff, v24;
	v11 =	vadd.f32 v63, v15;
	v15 =	vmul.f32 $1.442695020e+00, v16  }
0x75: {  	[tilespmem:s20+$0x10] =	vst v23  }
0x76: {  	v12 =	vadd.f32 v22, v18;
	[tilespmem:v13+s14+$0x0] =	vst.idx.add.f32.msk $0xffff, v21;
	v13 =	vmul.f32 $2.000000030e-01, v11;
	(erf) = vpow2.f32 v15  }
0x77: {  	s22 =	simm.s32 $0x5;
	s23 =	simm.s32 $0x4EE0;
	[tilespmem:v14+s14+$0x0] =	vst.idx.add.f32.msk $0xffff, v23  }
.LBB2_4:
0x78: {  	v14 =	vld [tilespmem:s23+$0x20];
	v11 =	vmax.f32 v11, v13;
	v13 =	vmul.f32 $2.000000030e-01, v12;
	v8 =	vadd.f32 v10, v8  }
0x79: {  	v7 =	vadd.f32 v7, v9;
	s21 =	sadd.s32 $0x50, s21;
	v10 =	vld [tilespmem:s23+$0xFFFFFFF0];
	v9 =	vmul.f32 $1.442695020e+00, v11  }
0x7a: {  	v11 =	vld [tilespmem:s21+$0x20];
	v12 =	vmax.f32 v12, v13;
	v13 =	vmul.f32 $2.000000030e-01, v8  }
0x7b: {  	s22 =	sadd.s32 $0x5, s22;
	v16 =	vmul.f32 $2.000000030e-01, v7;
	v15 =	vld [tilespmem:s21+$0xFFFFFFE0];
	v12 =	vmul.f32 $1.442695020e+00, v12  }
0x7c: {  	p1 =	slt.u32 s22, $0x26C;
	v17 =	vld [tilespmem:s21+$0xFFFFFFF0];
	v8 =	vmax.f32 v8, v13;
	(erf) = vpow2.f32 v9  }
0x7d: {  	v7 =	vmax.f32 v7, v16;
	v9 =	vld [tilespmem:s23+$0x0];
	v13 =	vmul.f32 $1.442695020e+00, v8;
	(erf) = vpow2.f32 v12  }
0x7e: {  	v7 =	vmul.f32 $1.442695020e+00, v7;
	v16 =	vld [tilespmem:s21+$0x0]  }
0x7f: {  	s20 =	sadd.s32 $0x50, s20;
	v12 =	vld [tilespmem:s23+$0x10];
	(erf) = vpow2.f32 v13;
	v8 =	vpop (erf)  }
0x80: {  	v13 =	vld.idx.msk [tilespmem:v14+s2+$0x0], $0xffff;
	[tilespmem:s20+$0x20] =	vst v8;
	(erf) = vpow2.f32 v7  }
0x81: {  	[tilespmem:v4+s14+$0x0] =	vst.idx.add.f32.msk $0xffff, v8;
	v4 =	vmov v11  }
0x82: {  	v8 =	vld.idx.msk [tilespmem:v11+s10+$0x0], $0xffff  }
0x83: {  	v14 =	vld [tilespmem:s21+$0x10]  }
0x84: {  	v11 =	vld [tilespmem:s23+$0xFFFFFFE0]  }
0x85: {  	v7 =	vld.idx.msk [tilespmem:v15+s10+$0x0], $0xffff;
	v18 =	vpop (erf)  }
0x86: {  	v19 =	vld.idx.msk [tilespmem:v10+s2+$0x0], $0xffff;
	[tilespmem:s20+$0xFFFFFFF0] =	vst v18;
	v20 =	vpop (erf)  }
0x87: {  	v21 =	vld.idx.msk [tilespmem:v17+s10+$0x0], $0xffff;
	[tilespmem:s20+$0x0] =	vst v20  }
0x88: {  	v13 =	vadd.f32 v8, v13;
	v22 =	vld.idx.msk [tilespmem:v9+s2+$0x0], $0xffff;
	v23 =	vpop (erf)  }
0x89: {  	v24 =	vld.idx.msk [tilespmem:v16+s10+$0x0], $0xffff;
	[tilespmem:s20+$0x10] =	vst v23;
	v25 =	vpop (erf)  }
0x8a: {  	v8 =	vld.idx.msk [tilespmem:v12+s2+$0x0], $0xffff;
	v12 =	vmul.f32 $2.000000030e-01, v13;
	[tilespmem:s20+$0xFFFFFFE0] =	vst v25  }
0x8b: {  	v10 =	vld.idx.msk [tilespmem:v14+s10+$0x0], $0xffff  }
.Ltmp1:
0x8c: {  	v9 =	vld.idx.msk [tilespmem:v11+s2+$0x0], $0xffff;
	v12 =	vmax.f32 v13, v12;
	(pc) =	sbr.rel @p1 .LBB2_4-.Ltmp1, $4  }
0x8d: {  	v11 =	vadd.f32 v21, v19;
	v19 =	vmul.f32 $1.442695020e+00, v12;
	[tilespmem:v2+s14+$0x0] =	vst.idx.add.f32.msk $0xffff, v25;
	v2 =	vmov v15  }
0x8e: {  	[tilespmem:v3+s14+$0x0] =	vst.idx.add.f32.msk $0xffff, v18;
	v3 =	vmov v17  }
0x8f: {  	v13 =	vmul.f32 $2.000000030e-01, v11;
	v12 =	vadd.f32 v24, v22;
	(erf) = vpow2.f32 v19;
	[tilespmem:v5+s14+$0x0] =	vst.idx.add.f32.msk $0xffff, v20;
	v5 =	vmovc v16  }
0x90: {  	s23 =	sadd.s32 $0x50, s23;
	[tilespmem:v6+s14+$0x0] =	vst.idx.add.f32.msk $0xffff, v23;
	v6 =	vmov v14  }
0x91: {  	v8 =	vadd.f32 v10, v8  }
0x92: {  	v56 =	vmul.f32 $2.000000030e-01, v12;
	v7 =	vadd.f32 v7, v9;
	v57 =	vmax.f32 v11, v13  }
0x93: {  	v9 =	vmul.f32 $1.442695020e+00, v57  }
0x94: {  	v58 =	vmul.f32 $2.000000030e-01, v8;
	v10 =	vmax.f32 v12, v56;
	v59 =	vmul.f32 $2.000000030e-01, v7  }
0x95: {  	v10 =	vmul.f32 $1.442695020e+00, v10;
	(erf) = vpow2.f32 v9  }
0x96: {  	v8 =	vmax.f32 v8, v58  }
0x97: {  	v7 =	vmax.f32 v7, v59;
	v8 =	vmul.f32 $1.442695020e+00, v8;
	(erf) = vpow2.f32 v10  }
0x98: {  	v7 =	vmul.f32 $1.442695020e+00, v7  }
0x99: {  	(erf) = vpow2.f32 v8  }
0x9a: {  	(erf) = vpow2.f32 v7;
	_ =	sdelay $0x1  }
0x9b: {  	s20 =	sadd.s32 $0x50, s20;
	v60 =	vpop (erf)  }
0x9c: {  	[tilespmem:s20+$0x20] =	vst v60  }
0x9d: {  	[tilespmem:v4+s14+$0x0] =	vst.idx.add.f32.msk $0xffff, v60;
	v61 =	vpop (erf)  }
0x9e: {  	[tilespmem:s20+$0xFFFFFFF0] =	vst v61  }
0x9f: {  	v62 =	vpop (erf);
	[tilespmem:v3+s14+$0x0] =	vst.idx.add.f32.msk $0xffff, v61  }
0xa0: {  	[tilespmem:s20+$0x0] =	vst v62  }
0xa1: {  	v8 =	vpop (erf);
	[tilespmem:v5+s14+$0x0] =	vst.idx.add.f32.msk $0xffff, v62  }
0xa2: {  	[tilespmem:s20+$0x10] =	vst v8;
	v63 =	vpop (erf)  }
0xa3: {  	[tilespmem:s20+$0xFFFFFFE0] =	vst v63  }
0xa4: {  	[tilespmem:v6+s14+$0x0] =	vst.idx.add.f32.msk $0xffff, v8  }
0xa5: {  	[tilespmem:v2+s14+$0x0] =	vst.idx.add.f32.msk $0xffff, v63  }
0xa6: {  	[hbm4b:s7+s2] =	stream.linear.scatter [tilespmem:s15], [sflag:$0x2], $0x2710, $0x38;
	[tilespmem:$0xF050] =	vst v63  }
0xa7: {  	_ =	swait.ge [sflag:s16], $0x2710  }
0xa8: {  	[sflag:s16] =	ssyncset.done $0x0  }
0xa9: {  	[sflag:s16] =	ssyncadd.s32 $0xFFFFD8F0  }
0xaa: {  	[spmem:s1] =	stream.indirect.scatter.add.f32 [tilespmem:s14], [sflag:$0x2], $0x10, s18, s17, $0xb8;
	[tilespmem:$0xF050] =	vst v63  }
0xab: {  	_ =	swait.ge [sflag:s16], $0x2800  }
0xac: {  	[sflag:s16] =	ssyncset.done $0x0  }
0xad: {  	[sflag:s16] =	ssyncadd.s32 $0xFFFFD800  }
0xae: {  	s21 =	simm.s32 @!p0 $0x2;
	s20 =	simm.s32 @!p0 $0xC350;
	[bflag:$0x0] =	sbarrier.arrive $0xFFFF  }
0xaf: {  	[tilespmem:s20], [sflag:$0x2] =	stream.linear.gather @!p0 [spmem:s1], $0x2800, $0x38;
	[tilespmem:$0xF050] =	vst v63  }
0xb0: {  	s19 =	sadd.s32 $0x1, s19;
	_ =	swait.ge @!p0 [sflag:s21], $0x2800  }
0xb1: {  	p1 =	sne.s32 s19, s9;
	[sflag:s21] =	ssyncset.done @!p0 $0x0  }
.Ltmp2:
0xb2: {  	s22 =	simm.s32 @!p0 $0x0;
	[sflag:s21] =	ssyncadd.s32 @!p0 $0xFFFFD800;
	(pc) =	sbr.rel @p1 .LBB2_1-.Ltmp2, $4  }
0xb3: {  	[hbm4b:s8+s22] =	stream.linear.scatter @!p0 [tilespmem:s20], [sflag:$0x2], $0x2800, $0x38;
	[tilespmem:$0xF050] =	vst v63  }
0xb4: {  	_ =	swait.ge @!p0 [sflag:s21], $0x2800  }
0xb5: {  	[sflag:s21] =	ssyncset.done @!p0 $0x0  }
0xb6: {  	[sflag:s21] =	ssyncadd.s32 @!p0 $0xFFFFD800  }
0xb7: {  	_ =	sfence.sel $0x180000  }
0xb8: {  	[bflag:$0x0] =	sbarrier.arrive $0xFFFF  }
0xb9: {  	_ =	strace $0x90000047  }
0xba: {  	s0 =	sadd.s32 @!p0 $0x100000, s0;
	[bflag:$0x2] =	sbarrier.arrive $0xFFFF  }
0xbb: {  	[sflag:s0] =	ssyncadd.tile.s32 @!p0 $0x1;
	_ =	shalt  }
.Lfunc_end2:
_tile_overlayer_lowered:
.L_overlay_start_2:
0xbc: {  	(tag) =	ssettag $0x2  }
0xbd: {  	s0 =	rddreg [dreg:$0x0];
	s2 =	stileid.u32  }
0xbe: {  	s1 =	rddreg [dreg:$0x1];
	p0 =	sne.s32 s2, $0x0  }
0xbf: {  	s3 =	rddreg [dreg:$0x2];
	[bflag:$0x3] =	sbarrier.arrive $0xFFFF;
	s2 =	simm.s32 @!p0 $0x1C02  }
0xc0: {  	[timem:s3], [sflag:s2] =	dma.local @!p0 [hbm:s0], s1  }
0xc1: {  	s0 =	simm.s32 @!p0 $0x2  }
0xc2: {  	_ =	swait.ge @!p0 [sflag:s0], s1  }
0xc3: {  	s1 =	ssub.s32 @!p0 $0x0, s1;
	[sflag:s0] =	ssyncset.done @!p0 $0x0  }
0xc4: {  	[sflag:s0] =	ssyncadd.s32 @!p0 s1  }
0xc5: {  	[bflag:$0x3] =	sbarrier.arrive $0xFFFF  }
0xc6: {  	_ =	shalt  }

// kernel: kernel.9.cloned.1.call-start
scs
__scs_entry_jumppad:
0x0: {  	(pc) =	sbr.rel $0x88, $3  }
0x1: {  	(tag) =	ssettag $0x0;
	lr =	simm.s32 $0x1  }
0x2: {  	[smem:$0x3F9C] =	sst lr;
	_ =	strace $0xD0000000  }
0x3: {  	_ = 	snop  }
0x4: {  	_ = 	snop  }
0x5: {  	_ = 	snop  }
0x6: {  	_ = 	snop  }
0x7: {  	_ = 	snop  }
__scs_overlays_trampoline_lowered:
0x8: {  	[smem:$0x3FAB] =	sst s0  }
0x9: {  	[smem:$0x3FAC] =	sst s1  }
0xa: {  	[smem:$0x3FAD] =	sst s2  }
0xb: {  	[smem:$0x3FAE] =	sst s3  }
0xc: {  	[smem:$0x3FAF] =	sst s4  }
0xd: {  	[smem:$0x3FB0] =	sst s5  }
0xe: {  	[smem:$0x3FB1] =	sst s6  }
0xf: {  	[smem:$0x3FB2] =	sst s7  }
0x10: {  	[smem:$0x3FB3] =	sst s8  }
0x11: {  	[smem:$0x3FB4] =	sst s9;
	s0 =	simm.s32 @!p0 $0x0  }
0x12: {  	s1 =	sld [smem:$0x3F9A];
	s0 =	simm.s32 @p0 $0x1  }
0x13: {  	[smem:$0x3FB5] =	sst s0;
	s0 =	simm.s32 @!p1 $0x0  }
0x14: {  	s2 =	sld [smem:$0x3F99];
	s0 =	simm.s32 @p1 $0x1  }
0x15: {  	[smem:$0x3FB6] =	sst s0;
	s0 =	simm.s32 @!p2 $0x0  }
0x16: {  	s3 =	sld [smem:$0x3FDB];
	s0 =	simm.s32 @p2 $0x1  }
0x17: {  	s4 =	simm.s32 $0x1BF5;
	[smem:$0x3FB8] =	sst s0  }
0x18: {  	s0 =	sld [smem:$0x3F9B];
	_ =	swait.ge [sflag:s4], $0x0  }
0x19: {  	s7 =	sld [smem:$0x3F9C]  }
0x1a: {  	s8 =	sadd.s32 $0xFFFFE003, lr  }
0x1b: {  	s9 =	sadd.s32 $0xFFFFFEF7, lr;
	s5 =	simm.s32 $0xFFFFFFFF;
	p2 =	slt.u32 s8, $0xFFFFF086  }
0x1c: {  	p1 =	slt.u32 s9, $0xF7A;
	s5 =	simm.s32 @!p2 $0x0  }
0x1d: {  	s5 =	simm.s32 @p1 $0x1;
	p0 =	seq.s32 s7, s2  }
0x1e: {  	s7 =	smul.u32 @!p0 $0xF7A, s2;
	p2 =	seq.s32 @!p0 s5, $0x0  }
0x1f: {  	s9 =	smul.u32 $0xF7A, s1;
	s8 =	simm.s32 @!p0 $0x1BF5;
	p2 =	por !p2, p0  }
0x20: {  	[sflag:s8] =	ssyncset.s32 @!p0 $0xFFFFF086;
	s6 =	sadd.s32 @!p0 s3, s7;
	s7 =	simm.s32 @!p0 $0x108  }
0x21: {  	s3 =	sadd.s32 s3, s9;
	s6 =	sadd.s32 @!p0 $0x88, s6;
	s7 =	simm.s32 @p2 $0x1082  }
0x22: {  	[simem:s7], [sflag:s8] =	dma.local @!p0 [hbm:s6], $0xF7A  }
0x23: {  	s9 =	sor.u32 $0xD0000000, s2;
	s6 =	simm.s32 $0x108;
	_ =	swait.ge @!p0 [sflag:s8], $0x0  }
0x24: {  	s3 =	sadd.s32 $0x88, s3;
	s6 =	simm.s32 @!p1 $0x1082;
	[sflag:s4] =	ssyncset.s32 $0xFFFFF086  }
0x25: {  	[simem:s6], [sflag:s4] =	dma.local [hbm:s3], $0xF7A  }
0x26: {  	[smem:$0x3F9C] =	sst s1;
	(tag) =	ssettag s2;
	_ =	strace s9  }
0x27: {  	s1 =	sld [smem:$0x3FAC]  }
0x28: {  	s2 =	sld [smem:$0x3FAD]  }
0x29: {  	s4 =	sld [smem:$0x3FAF]  }
0x2a: {  	p0 =	seq.s32 s5, $0x0;
	s5 =	sld [smem:$0x3FB0]  }
0x2b: {  	s6 =	sld [smem:$0x3FB1]  }
0x2c: {  	s7 =	sld [smem:$0x3FB2]  }
0x2d: {  	s3 =	simm.s32 $0x108;
	s8 =	sld [smem:$0x3FB3]  }
0x2e: {  	s3 =	simm.s32 @!p0 $0x1082;
	s9 =	sld [smem:$0x3FB4]  }
0x2f: {  	lr =	sadd.s32 s0, s3;
	s0 =	sld [smem:$0x3FAB]  }
0x30: {  	s3 =	sld [smem:$0x3FAE]  }
0x31: {  	[smem:$0x3FB7] =	sst s10  }
0x32: {  	s10 =	sld [smem:$0x3FB5];
	_ =	sdelay $0x3  }
0x33: {  	p0 =	seq.s32 s10, $0x1;
	s10 =	sld [smem:$0x3FB7];
	_ =	sdelay $0x3  }
0x34: {  	[smem:$0x3FB7] =	sst s10  }
0x35: {  	s10 =	sld [smem:$0x3FB6];
	_ =	sdelay $0x3  }
0x36: {  	p1 =	seq.s32 s10, $0x1;
	s10 =	sld [smem:$0x3FB7];
	_ =	sdelay $0x3  }
0x37: {  	[smem:$0x3FB7] =	sst s10  }
0x38: {  	s10 =	sld [smem:$0x3FB8]  }
0x39: {  	_ = 	snop;
	(pc) =	sbr.ind lr, $3  }
0x3a: {  	_ = 	snop  }
0x3b: {  	_ = 	snop  }
0x3c: {  	p2 =	seq.s32 s10, $0x1;
	s10 =	sld [smem:$0x3FB7]  }
0x3d: {  	_ =	shalt  }
0x3e: {  	_ =	shalt  }
0x3f: {  	_ =	shalt  }
0x40: {  	_ =	shalt  }
0x41: {  	_ =	shalt  }
0x42: {  	_ =	shalt  }
0x43: {  	_ =	shalt  }
0x44: {  	_ =	shalt  }
0x45: {  	_ =	shalt  }
0x46: {  	_ =	shalt  }
0x47: {  	_ =	shalt  }
0x48: {  	_ =	shalt  }
0x49: {  	_ =	shalt  }
0x4a: {  	_ =	shalt  }
0x4b: {  	_ =	shalt  }
0x4c: {  	_ =	shalt  }
0x4d: {  	_ =	shalt  }
0x4e: {  	_ =	shalt  }
0x4f: {  	_ =	shalt  }
0x50: {  	_ =	shalt  }
0x51: {  	_ =	shalt  }
0x52: {  	_ =	shalt  }
0x53: {  	_ =	shalt  }
0x54: {  	_ =	shalt  }
0x55: {  	_ =	shalt  }
0x56: {  	_ =	shalt  }
0x57: {  	_ =	shalt  }
0x58: {  	_ =	shalt  }
0x59: {  	_ =	shalt  }
0x5a: {  	_ =	shalt  }
0x5b: {  	_ =	shalt  }
0x5c: {  	_ =	shalt  }
0x5d: {  	_ =	shalt  }
0x5e: {  	_ =	shalt  }
0x5f: {  	_ =	shalt  }
0x60: {  	_ =	shalt  }
0x61: {  	_ =	shalt  }
0x62: {  	_ =	shalt  }
0x63: {  	_ =	shalt  }
0x64: {  	_ =	shalt  }
0x65: {  	_ =	shalt  }
0x66: {  	_ =	shalt  }
0x67: {  	_ =	shalt  }
0x68: {  	_ =	shalt  }
0x69: {  	_ =	shalt  }
0x6a: {  	_ =	shalt  }
0x6b: {  	_ =	shalt  }
0x6c: {  	_ =	shalt  }
0x6d: {  	_ =	shalt  }
0x6e: {  	_ =	shalt  }
0x6f: {  	_ =	shalt  }
0x70: {  	_ =	shalt  }
0x71: {  	_ =	shalt  }
0x72: {  	_ =	shalt  }
0x73: {  	_ =	shalt  }
0x74: {  	_ =	shalt  }
0x75: {  	_ =	shalt  }
0x76: {  	_ =	shalt  }
0x77: {  	_ =	shalt  }
0x78: {  	_ =	shalt  }
0x79: {  	_ =	shalt  }
0x7a: {  	_ =	shalt  }
0x7b: {  	_ =	shalt  }
0x7c: {  	_ =	shalt  }
0x7d: {  	_ =	shalt  }
0x7e: {  	_ =	shalt  }
0x7f: {  	_ =	shalt  }
0x80: {  	_ =	shalt  }
0x81: {  	_ =	shalt  }
0x82: {  	_ =	shalt  }
0x83: {  	_ =	shalt  }
0x84: {  	_ =	shalt  }
0x85: {  	_ =	shalt  }
0x86: {  	_ =	shalt  }
0x87: {  	_ =	shalt  }
.Lfunc_end0:
.L_simem_size_0:
called_computation.1_lowered:
.L_overlay_start_0:
0x88: {  	s2 =	sld [smem:$0x3FD9]  }
0x89: {  	s3 =	sld [smem:$0x3FFE];
	_ =	sdelay $0x1  }
0x8a: {  	s1 =	srdreg.scid  }
0x8b: {  	s0 =	sand.u32 $0x1, s1  }
0x8c: {  	s17 =	sshll.u32 s0, $0xA;
	s2 =	sadd.s32 s3, s2  }
0x8d: {  	s2 =	sadd.s32 s2, s17  }
0x8e: {  	[smem:$0x3FC3] =	sst s2  }
0x8f: {  	_ = 	snop  }
0x90: {  	s2 =	sld [smem:$0x3FD0];
	(tm) =	ssettm $0x1  }
0x91: {  	s18 =	sld [smem:$0x3FFB];
	_ =	sdelay $0x3  }
0x92: {  	_ =	strace s18  }
0x93: {  	s3 =	sld [smem:$0x3FFC];
	_ =	sdelay $0x3  }
0x94: {  	_ =	strace s3  }
0x95: {  	s3 =	sld [smem:$0x3FFD];
	_ =	sdelay $0x3  }
0x96: {  	_ =	strace s3  }
0x97: {  	_ =	strace $0x8FFFFFFF  }
0x98: {  	s19 =	sld [smem:$0x3FDB];
	_ =	sdelay $0x1  }
0x99: {  	s4 =	simm.s32 $_scs_section_size  }
0x9a: {  	s5 =	simm.s32 $_size__tile_overlayer_lowered;
	s6 =	simm.s32 $_tile_overlayer_lowered  }
0x9b: {  	s22 =	simm.s32 $0x1BFF;
	s21 =	sshll.u32 s6, $0x1;
	s3 =	sadd.s32 s4, s19  }
0x9c: {  	s7 =	simm.s32 $0x0;
	s20 =	sshll.u32 s5, $0x1;
	s5 =	sadd.s32 s21, s3  }
0x9d: {  	[timem:s7], [sflag:s22] =	dma.local [hbm:s5], s20  }
0x9e: {  	_ =	swait.ge [sflag:s22], s20  }
0x9f: {  	s4 =	ssub.s32 $0x0, s20;
	[sflag:s22] =	ssyncset.done $0x0  }
0xa0: {  	[sflag:s22] =	ssyncadd.s32 s4;
	_ =	sdelay $0x1  }
0xa1: {  	s23 =	simm.s32 $0x1B8B  }
0xa2: {  	_ =	swait.ge [sflag:s23], $0x1  }
0xa3: {  	[sflag:s23] =	ssyncset.done $0x0  }
0xa4: {  	s25 =	simm.s32 $0x1B8E;
	s24 =	sld [smem:$0x3FFE];
	[sflag:s23] =	ssyncadd.s32 $0xFFFFFFFF  }
0xa5: {  	s26 =	simm.s32 $execute0_lowered;
	[smem:$0x3FD2] =	sst s25  }
0xa6: {  	s5 =	sshll.u32 s26, $0x1;
	_ =	strace $0x80000049;
	[dreg:$0x1] =	wrdreg $0xFFFFFFFF  }
0xa7: {  	s28 =	simm.s32 $_size_execute0_lowered;
	s3 =	sadd.s32 s3, s5;
	[dreg:$0x0] =	wrdreg $0x0  }
0xa8: {  	s5 =	sshll.u32 s28, $0x1;
	[dreg:$0x2] =	wrdreg s3  }
0xa9: {  	[dreg:$0x3] =	wrdreg s5  }
0xaa: {  	[dreg:$0x4] =	wrdreg $0xC0  }
0xab: {  	_ =	task [dreg:s7], $0x5FFFF  }
0xac: {  	[dreg:$0x1] =	wrdreg $0xFFFFFFFF  }
0xad: {  	[dreg:$0x0] =	wrdreg $0x60  }
0xae: {  	[dreg:$0x2] =	wrdreg s2  }
0xaf: {  	[dreg:$0x3] =	wrdreg s24  }
0xb0: {  	[dreg:$0x4] =	wrdreg $0x9  }
0xb1: {  	_ =	task.clear_ibuf [dreg:s7], $0x5FFFF;
	_ =	strace $0x90000049  }
0xb2: {  	s29 =	simm.s32 $0x9;
	_ =	strace $0x8000004B  }
0xb3: {  	_ =	swait.ge [sflag:s29], $0x1  }
0xb4: {  	[sflag:s29] =	ssyncadd.s32 $0xFFFFFFFF  }
0xb5: {  	_ =	strace $0x9000004B  }
0xb6: {  	_ =	sfence  }
0xb7: {  	s30 =	sld [smem:$0x0];
	_ =	sdelay $0x2  }
0xb8: {  	s31 =	sshll.u32 s1, $0xD;
	s1 =	sshrl.u32 s1, $0x2  }
0xb9: {  	s3 =	sand.u32 $0x4000, s31;
	s1 =	sadd.s32 s1, s30  }
0xba: {  	s0 =	sor.u32 s3, s0;
	s1 =	sshll.u32 s1, $0x11  }
0xbb: {  	s0 =	sor.u32 s1, s0  }
0xbc: {  	s0 =	sadd.s32 $0x8F2B, s0  }
0xbd: {  	[sflag:s0] =	ssyncadd.remote.s32 $0x1  }
0xbe: {  	_ =	sfence.sel $0xFFFF  }
0xbf: {  	[dreg:$0x0] =	wrdreg $0xFFFFFFFF;
	(pc) =	sbr.abs _section_cstart, $3  }
0xc0: {  	[dreg:$0x1] =	wrdreg $0xFFFFFFFF  }
0xc1: {  	_ =	task.clear_ibuf [dreg:s7], $0x2FFFF;
	_ =	strace $0x9FFFFFFF  }
0xc2: {  	(tm) =	ssettm $0x7FFFFFFF  }
0xc3: {  	_ =	shalt  }
tec
execute0_lowered:
.L_overlay_start_1:
0x0: {  	(tag) =	ssettag $0x1  }
0x1: {  	s7 =	rddreg [dreg:$0x0]  }
0x2: {  	s2 =	rddreg [dreg:$0x1]  }
0x3: {  	s0 =	rddreg [dreg:$0x2]  }
0x4: {  	s4 =	srdreg.scid;
	s1 =	stileid.u32;
	s3 =	simm.s32 $0x0  }
0x5: {  	s12 =	simm.s32 $0x16080;
	s13 =	simm.s32 $0x1;
	s14 =	simm.s32 $0x18880  }
0x6: {  	s15 =	simm.s32 $0x19500;
	s16 =	simm.s32 $0x1A180;
	s17 =	simm.s32 $0x1AE00  }
0x7: {  	s18 =	simm.s32 $0x1BA80;
	s19 =	simm.s32 $0x1C700;
	s20 =	simm.s32 $0x9C40  }
0x8: {  	s21 =	simm.s32 $0x2;
	s22 =	simm.s32 $0x3;
	s23 =	simm.s32 $0x0  }
0x9: {  	s6 =	sand.u32 $0x1, s4;
	s31 =	sshll.u32 s1, $0x1;
	[smem:$0x7FF] =	sst s3  }
0xa: {  	s5 =	sadd.s32 $0x14800, s2;
	s4 =	sor.u32 s6, s31;
	s9 =	ssub.s32 $0x2, s6  }
0xb: {  	_ =	strace $0x8000004A;
	s8 =	smul.u32 $0x1388, s4;
	s11 =	sshrl.u32 s9, $0x1  }
0xc: {  	s6 =	sadd.s32 $0x1E600, s2;
	s4 =	sadd.s32 $0x9E00, s2;
	s11 =	ssub.s32 s9, s11  }
0xd: {  	s10 =	sadd.s32 s8, s2;
	s7 =	sadd.s32 s7, s8;
	s8 =	sadd.s32 $0x1EB00, s2  }
0xe: {  	v0 =	vimm.f32 $0.0e+00;
	s9 =	sadd.s32 $0x1F000, s10;
	s10 =	smax.u32 s11, $0x1;
	s11 =	simm.s32 $0x13880  }
.LBB2_1:
0xf: {  	[tilespmem:s3], [sflag:$0x1] =	stream.linear.gather [hbm4b:s7+s3], $0x9C40, $0x38;
	[tilespmem:$0x1D380] =	vst v63  }
0x10: {  	_ = 	snop  }
0x11: {  	[tilespmem:s11], [sflag:$0x1] =	stream.linear.gather [hbm4b:s6+s3], $0x2800, $0x38;
	[tilespmem:$0x1D380] =	vst v63  }
0x12: {  	_ = 	snop  }
0x13: {  	[tilespmem:s12], [sflag:$0x1] =	stream.linear.gather [hbm4b:s8+s3], $0x2800, $0x38;
	[tilespmem:$0x1D380] =	vst v63  }
0x14: {  	_ =	swait.ge [sflag:s13], $0x9C40  }
0x15: {  	[sflag:s13] =	ssyncset.done $0x0  }
0x16: {  	[sflag:s13] =	ssyncadd.s32 $0xFFFF63C0  }
0x17: {  	_ =	swait.ge [sflag:s13], $0x2800  }
0x18: {  	[sflag:s13] =	ssyncset.done $0x0  }
0x19: {  	[sflag:s13] =	ssyncadd.s32 $0xFFFFD800  }
0x1a: {  	_ =	swait.ge [sflag:s13], $0x2800  }
0x1b: {  	[sflag:s13] =	ssyncset.done $0x0  }
0x1c: {  	s24 =	simm.s32 $0x138C0;
	[sflag:s13] =	ssyncadd.s32 $0xFFFFD800  }
0x1d: {  	s25 =	simm.s32 $0x160C0;
	v1 =	vld [tilespmem:s24+$0x30]  }
0x1e: {  	v2 =	vld [tilespmem:s25+$0x30]  }
0x1f: {  	v3 =	vld [tilespmem:s25+$0xFFFFFFC0]  }
0x20: {  	v4 =	vld [tilespmem:s24+$0xFFFFFFD0]  }
0x21: {  	v5 =	vld [tilespmem:s25+$0xFFFFFFD0]  }
0x22: {  	v6 =	vld [tilespmem:s24+$0xFFFFFFE0]  }
0x23: {  	v7 =	vld [tilespmem:s25+$0xFFFFFFE0]  }
0x24: {  	v8 =	vld [tilespmem:s24+$0xFFFFFFF0]  }
0x25: {  	v9 =	vld [tilespmem:s25+$0xFFFFFFF0]  }
0x26: {  	v10 =	vld [tilespmem:s24+$0x0];
	v1 =	vadd.f32 v2, v1  }
0x27: {  	v11 =	vld [tilespmem:s25+$0x0];
	v4 =	vadd.f32 v5, v4  }
0x28: {  	v12 =	vld [tilespmem:s24+$0x10];
	v6 =	vadd.f32 v7, v6;
	v1 =	vadd.f32 $1.000000020e-16, v1  }
0x29: {  	v2 =	vld [tilespmem:s25+$0x10];
	v4 =	vadd.f32 $1.000000020e-16, v4  }
0x2a: {  	v5 =	vld [tilespmem:s24+$0x20];
	(erf) = vrcp.f32 v1;
	v1 =	vadd.f32 $1.000000020e-16, v6  }
0x2b: {  	v7 =	vld [tilespmem:s25+$0x20];
	v8 =	vadd.f32 v9, v8;
	(erf) = vrcp.f32 v4  }
0x2c: {  	v9 =	vld [tilespmem:s24+$0xFFFFFFC0];
	s25 =	simm.s32 $0x13940;
	v6 =	vadd.f32 v11, v10;
	(erf) = vrcp.f32 v1  }
0x2d: {  	s26 =	simm.s32 $0x16140;
	v10 =	vld [tilespmem:s25+$0x30];
	v4 =	vadd.f32 $1.000000020e-16, v8  }
0x2e: {  	v8 =	vld [tilespmem:s26+$0x30];
	v2 =	vadd.f32 v2, v12;
	v6 =	vadd.f32 $1.000000020e-16, v6  }
0x2f: {  	(erf) = vrcp.f32 v4;
	v4 =	vld [tilespmem:s25+$0xFFFFFFD0]  }
0x30: {  	v5 =	vadd.f32 v7, v5;
	v2 =	vadd.f32 $1.000000020e-16, v2;
	(erf) = vrcp.f32 v6;
	v6 =	vld [tilespmem:s26+$0xFFFFFFD0]  }
0x31: {  	v13 =	vld [tilespmem:s26+$0x0];
	v3 =	vadd.f32 v3, v9  }
0x32: {  	v11 =	vld [tilespmem:s25+$0xFFFFFFE0];
	v5 =	vadd.f32 $1.000000020e-16, v5;
	(erf) = vrcp.f32 v2  }
0x33: {  	v3 =	vadd.f32 $1.000000020e-16, v3;
	v2 =	vld [tilespmem:s26+$0xFFFFFFE0];
	v8 =	vadd.f32 v8, v10;
	v62 =	vpop (erf)  }
0x34: {  	v7 =	vld [tilespmem:s25+$0xFFFFFFF0];
	v63 =	vpop (erf);
	(erf) = vrcp.f32 v5  }
0x35: {  	v9 =	vld [tilespmem:s26+$0xFFFFFFF0];
	v4 =	vadd.f32 v6, v4;
	v5 =	vadd.f32 $1.000000020e-16, v8;
	v6 =	vpop (erf);
	(erf) = vrcp.f32 v3  }
0x36: {  	v1 =	vld [tilespmem:s26+$0xFFFFFFC0]  }
0x37: {  	v10 =	vld [tilespmem:s25+$0x0];
	[tilespmem:s24+$0x30] =	vst v62;
	(erf) = vrcp.f32 v5  }
0x38: {  	v8 =	vadd.f32 v2, v11;
	v2 =	vld [tilespmem:s25+$0x10];
	[tilespmem:s24+$0xFFFFFFE0] =	vst v6;
	v6 =	vadd.f32 $1.000000020e-16, v4  }
0x39: {  	[tilespmem:s24+$0xFFFFFFD0] =	vst v63;
	v3 =	vpop (erf);
	v4 =	vld [tilespmem:s26+$0x10]  }
0x3a: {  	v7 =	vadd.f32 v9, v7;
	v11 =	vadd.f32 $1.000000020e-16, v8;
	[tilespmem:s24+$0xFFFFFFF0] =	vst v3;
	v3 =	vld [tilespmem:s25+$0x20];
	v5 =	vpop (erf);
	(erf) = vrcp.f32 v6  }
0x3b: {  	v6 =	vld [tilespmem:s26+$0x20];
	[tilespmem:s24+$0x0] =	vst v5;
	v9 =	vpop (erf)  }
0x3c: {  	s28 =	simm.s32 $0x8;
	s29 =	simm.s32 $0x139C0;
	v7 =	vadd.f32 $1.000000020e-16, v7;
	v8 =	vadd.f32 v13, v10;
	v5 =	vld [tilespmem:s25+$0xFFFFFFC0];
	(erf) = vrcp.f32 v11;
	[tilespmem:s24+$0x10] =	vst v9  }
.LBB2_2:
0x3d: {  	v9 =	vld [tilespmem:s29+$0x30];
	s26 =	sadd.s32 $0x80, s26;
	v10 =	vpop (erf)  }
0x3e: {  	s28 =	sadd.s32 $0x8, s28;
	v11 =	vld [tilespmem:s26+$0x30];
	v8 =	vadd.f32 $1.000000020e-16, v8;
	v2 =	vadd.f32 v4, v2;
	(erf) = vrcp.f32 v7;
	[tilespmem:s24+$0x20] =	vst v10;
	v4 =	vpop (erf)  }
0x3f: {  	p0 =	slt.u32 s28, $0x278;
	v7 =	vld [tilespmem:s26+$0xFFFFFFC0];
	[tilespmem:s24+$0xFFFFFFC0] =	vst v4;
	s24 =	smov.u32 s25;
	s25 =	smov.u32 s29  }
0x40: {  	v4 =	vld [tilespmem:s29+$0xFFFFFFD0];
	v2 =	vadd.f32 $1.000000020e-16, v2;
	v3 =	vadd.f32 v6, v3;
	(erf) = vrcp.f32 v8;
	v6 =	vpop (erf)  }
0x41: {  	v8 =	vld [tilespmem:s26+$0xFFFFFFD0];
	v10 =	vadd.f32 v1, v5;
	[tilespmem:s24+$0x30] =	vst v6  }
0x42: {  	v5 =	vld [tilespmem:s29+$0xFFFFFFE0];
	v3 =	vadd.f32 $1.000000020e-16, v3;
	(erf) = vrcp.f32 v2  }
0x43: {  	v2 =	vld [tilespmem:s26+$0xFFFFFFE0];
	v6 =	vadd.f32 v11, v9;
	v9 =	vadd.f32 $1.000000020e-16, v10;
	v1 =	vpop (erf)  }
0x44: {  	v10 =	vld [tilespmem:s29+$0xFFFFFFF0];
	[tilespmem:s24+$0xFFFFFFD0] =	vst v1;
	(erf) = vrcp.f32 v3;
	v1 =	vmov v7  }
0x45: {  	v3 =	vld [tilespmem:s26+$0xFFFFFFF0];
	v11 =	vadd.f32 $1.000000020e-16, v6;
	(erf) = vrcp.f32 v9;
	v7 =	vpop (erf)  }
0x46: {  	v4 =	vadd.f32 v8, v4;
	v8 =	vld [tilespmem:s29+$0x0];
	[tilespmem:s24+$0xFFFFFFE0] =	vst v7  }
0x47: {  	v9 =	vld [tilespmem:s26+$0x0];
	(erf) = vrcp.f32 v11;
	v6 =	vpop (erf)  }
.Ltmp0:
0x48: {  	v7 =	vadd.f32 $1.000000020e-16, v4;
	v5 =	vadd.f32 v2, v5;
	v2 =	vld [tilespmem:s29+$0x10];
	[tilespmem:s24+$0xFFFFFFF0] =	vst v6;
	(pc) =	sbr.rel @p0 .LBB2_2-.Ltmp0, $4  }
0x49: {  	v4 =	vld [tilespmem:s26+$0x10];
	v6 =	vpop (erf)  }
0x4a: {  	v11 =	vadd.f32 $1.000000020e-16, v5;
	v10 =	vadd.f32 v3, v10;
	v3 =	vld [tilespmem:s29+$0x20];
	(erf) = vrcp.f32 v7;
	[tilespmem:s24+$0x0] =	vst v6  }
0x4b: {  	v6 =	vld [tilespmem:s26+$0x20];
	v12 =	vpop (erf)  }
0x4c: {  	s29 =	sadd.s32 $0x80, s29;
	v5 =	vld [tilespmem:s25+$0xFFFFFFC0];
	v7 =	vadd.f32 $1.000000020e-16, v10;
	v8 =	vadd.f32 v9, v8;
	(erf) = vrcp.f32 v11;
	[tilespmem:s24+$0x10] =	vst v12  }
0x4d: {  	_ =	sdelay $0x2  }
0x4e: {  	v2 =	vadd.f32 v4, v2;
	v63 =	vadd.f32 $1.000000020e-16, v8  }
0x4f: {  	v3 =	vadd.f32 v6, v3;
	v1 =	vadd.f32 v1, v5  }
0x50: {  	(erf) = vrcp.f32 v7;
	v2 =	vadd.f32 $1.000000020e-16, v2  }
0x51: {  	(erf) = vrcp.f32 v63;
	v3 =	vadd.f32 $1.000000020e-16, v3;
	v1 =	vadd.f32 $1.000000020e-16, v1  }
0x52: {  	(erf) = vrcp.f32 v2  }
0x53: {  	(erf) = vrcp.f32 v3  }
0x54: {  	v2 =	vpop (erf);
	(erf) = vrcp.f32 v1  }
0x55: {  	[tilespmem:s24+$0x20] =	vst v2;
	v1 =	vpop (erf)  }
0x56: {  	v2 =	vpop (erf);
	[tilespmem:s24+$0xFFFFFFC0] =	vst v1  }
0x57: {  	v1 =	vpop (erf);
	[tilespmem:s25+$0x30] =	vst v2  }
0x58: {  	[tilespmem:s25+$0xFFFFFFD0] =	vst v1;
	v1 =	vpop (erf)  }
0x59: {  	[tilespmem:s25+$0xFFFFFFE0] =	vst v1;
	v1 =	vpop (erf)  }
0x5a: {  	[tilespmem:s25+$0xFFFFFFF0] =	vst v1;
	v1 =	vpop (erf)  }
0x5b: {  	[tilespmem:s25+$0x0] =	vst v1;
	v1 =	vpop (erf)  }
0x5c: {  	[tilespmem:s25+$0x10] =	vst v1;
	v1 =	vpop (erf)  }
0x5d: {  	p0 =	por $0x1, $0x1;
	[tilespmem:s25+$0x20] =	vst v1;
	v1 =	vpop (erf)  }
.Ltmp1:
0x5e: {  	s24 =	simm.s32 $0x9C60;
	[tilespmem:s25+$0xFFFFFFC0] =	vst v1;
	(pc) =	sbr.rel @!p0 .LBB2_5-.Ltmp1, $4  }
0x5f: {  	[tilespmem:s24+$0xFFFFFFE0] =	vst v0  }
0x60: {  	[tilespmem:s24+$0x20] =	vst v0  }
0x61: {  	[tilespmem:s24+$0x10] =	vst v0  }
0x62: {  	s25 =	simm.s32 $0x0;
	[tilespmem:s24+$0x0] =	vst v0  }
.LBB2_4:
0x63: {  	s25 =	sadd.s32 $0x5, s25  }
0x64: {  	[tilespmem:s24+$0xFFFFFFF0] =	vst v0;
	s24 =	sadd.s32 $0x50, s24;
	p0 =	slt.u32 s25, $0x26C  }
.Ltmp2:
0x65: {  	[tilespmem:s24+$0xFFFFFFE0] =	vst v0;
	(pc) =	sbr.rel @p0 .LBB2_4-.Ltmp2, $4  }
0x66: {  	_ = 	snop  }
0x67: {  	[tilespmem:s24+$0x20] =	vst v0  }
0x68: {  	[tilespmem:s24+$0x10] =	vst v0  }
0x69: {  	[tilespmem:s24+$0x0] =	vst v0  }
.LBB2_5:
0x6a: {  	p0 =	por $0x1, $0x1  }
.Ltmp3:
0x6b: {  	[tilespmem:s24+$0xFFFFFFF0] =	vst v0;
	s25 =	simm.s32 $0xC390;
	(pc) =	sbr.rel @!p0 .LBB2_7-.Ltmp3, $4  }
0x6c: {  	[tilespmem:s25+$0xFFFFFFC0] =	vst v0  }
0x6d: {  	[tilespmem:s25+$0x0] =	vst v0  }
0x6e: {  	[tilespmem:s25+$0xFFFFFFF0] =	vst v0  }
0x6f: {  	s26 =	simm.s32 $0x0;
	s24 =	simm.s32 $0xEAA0;
	[tilespmem:s25+$0xFFFFFFE0] =	vst v0  }
.LBB2_6:
0x70: {  	s26 =	sadd.s32 $0x5, s26  }
0x71: {  	[tilespmem:s25+$0xFFFFFFD0] =	vst v0;
	s25 =	sadd.s32 $0x50, s25;
	p0 =	slt.u32 s26, $0x26C  }
.Ltmp4:
0x72: {  	[tilespmem:s25+$0xFFFFFFC0] =	vst v0;
	(pc) =	sbr.rel @p0 .LBB2_6-.Ltmp4, $4  }
0x73: {  	_ = 	snop  }
0x74: {  	[tilespmem:s25+$0x0] =	vst v0  }
0x75: {  	[tilespmem:s25+$0xFFFFFFF0] =	vst v0  }
0x76: {  	[tilespmem:s25+$0xFFFFFFE0] =	vst v0  }
.LBB2_7:
0x77: {  	[tilespmem:s25+$0xFFFFFFD0] =	vst v0  }
0x78: {  	[tilespmem:s24+$0xFFFFFFC0] =	vst v0  }
0x79: {  	[tilespmem:s24+$0x0] =	vst v0  }
0x7a: {  	[tilespmem:s24+$0xFFFFFFF0] =	vst v0  }
0x7b: {  	s26 =	simm.s32 $0x0;
	[tilespmem:s24+$0xFFFFFFE0] =	vst v0  }
.LBB2_8:
0x7c: {  	s26 =	sadd.s32 $0x5, s26  }
0x7d: {  	[tilespmem:s24+$0xFFFFFFD0] =	vst v0;
	s24 =	sadd.s32 $0x50, s24;
	s25 =	simm.s32 $0x111B0;
	p0 =	slt.u32 s26, $0x26C  }
.Ltmp5:
0x7e: {  	[tilespmem:s24+$0xFFFFFFC0] =	vst v0;
	(pc) =	sbr.rel @p0 .LBB2_8-.Ltmp5, $4  }
0x7f: {  	_ = 	snop  }
0x80: {  	[tilespmem:s24+$0x0] =	vst v0  }
0x81: {  	[tilespmem:s24+$0xFFFFFFF0] =	vst v0  }
0x82: {  	[tilespmem:s24+$0xFFFFFFE0] =	vst v0  }
0x83: {  	[tilespmem:s24+$0xFFFFFFD0] =	vst v0  }
0x84: {  	[tilespmem:s25+$0xFFFFFFC0] =	vst v0  }
0x85: {  	[tilespmem:s25+$0x0] =	vst v0  }
0x86: {  	[tilespmem:s25+$0xFFFFFFF0] =	vst v0  }
0x87: {  	s24 =	simm.s32 $0x0;
	[tilespmem:s25+$0xFFFFFFE0] =	vst v0  }
.LBB2_10:
0x88: {  	s24 =	sadd.s32 $0x5, s24  }
0x89: {  	[tilespmem:s25+$0xFFFFFFD0] =	vst v0;
	s25 =	sadd.s32 $0x50, s25;
	p0 =	slt.u32 s24, $0x26C  }
.Ltmp6:
0x8a: {  	[tilespmem:s25+$0xFFFFFFC0] =	vst v0;
	(pc) =	sbr.rel @p0 .LBB2_10-.Ltmp6, $4  }
0x8b: {  	_ = 	snop  }
0x8c: {  	[tilespmem:s25+$0x0] =	vst v0  }
0x8d: {  	[tilespmem:s25+$0xFFFFFFF0] =	vst v0  }
0x8e: {  	[tilespmem:s25+$0xFFFFFFE0] =	vst v0  }
0x8f: {  	[tilespmem:s25+$0xFFFFFFD0] =	vst v0;
	s24 =	simm.s32 $0x0  }
0x90: {  	[tilespmem:s14], [sflag:$0x1] =	stream.linear.gather [hbm4b:s4+s24], $0xC80, $0x38;
	[tilespmem:$0x1D380] =	vst v63  }
0x91: {  	_ = 	snop  }
0x92: {  	[tilespmem:s15], [sflag:$0x1] =	stream.linear.gather [hbm4b:s2+s24], $0xC80, $0x38;
	[tilespmem:$0x1D380] =	vst v63  }
0x93: {  	_ = 	snop  }
0x94: {  	[tilespmem:s16], [sflag:$0x1] =	stream.linear.gather [hbm4b:s5+s24], $0xC80, $0x38;
	[tilespmem:$0x1D380] =	vst v63  }
.LBB2_12:
0x95: {  	s25 =	smul.u32 $0x1900, s24;
	_ =	sdelay $0x1  }
0x96: {  	s25 =	sshrl.u32 s25, $0x3  }
0x97: {  	s25 =	sadd.s32 $0x190, s25  }
0x98: {  	s26 =	sadd.s32 s4, s25  }
0x99: {  	[tilespmem:s17], [sflag:$0x2] =	stream.linear.gather [hbm4b:s26+s3], $0xC80, $0x38;
	[tilespmem:$0x1D380] =	vst v63  }
0x9a: {  	s31 =	sadd.s32 s2, s25  }
0x9b: {  	[tilespmem:s18], [sflag:$0x2] =	stream.linear.gather [hbm4b:s31+s3], $0xC80, $0x38;
	[tilespmem:$0x1D380] =	vst v63  }
0x9c: {  	s25 =	sadd.s32 s5, s25  }
0x9d: {  	[tilespmem:s19], [sflag:$0x2] =	stream.linear.gather [hbm4b:s25+s3], $0xC80, $0x38;
	[tilespmem:$0x1D380] =	vst v63  }
0x9e: {  	_ =	swait.ge [sflag:s13], $0xC80  }
0x9f: {  	[sflag:s13] =	ssyncset.done $0x0  }
0xa0: {  	[sflag:s13] =	ssyncadd.s32 $0xFFFFF380  }
0xa1: {  	_ =	swait.ge [sflag:s13], $0xC80  }
0xa2: {  	[sflag:s13] =	ssyncset.done $0x0  }
0xa3: {  	[sflag:s13] =	ssyncadd.s32 $0xFFFFF380  }
0xa4: {  	_ =	swait.ge [sflag:s13], $0xC80  }
0xa5: {  	[sflag:s13] =	ssyncset.done $0x0  }
0xa6: {  	s28 =	simm.s32 $0x188D0;
	[sflag:s13] =	ssyncadd.s32 $0xFFFFF380  }
0xa7: {  	v8 =	vld [tilespmem:s28+$0x40]  }
0xa8: {  	v15 =	vld [tilespmem:s28+$0xFFFFFFC0]  }
0xa9: {  	v7 =	vld [tilespmem:s28+$0xFFFFFFD0]  }
0xaa: {  	v4 =	vld [tilespmem:s28+$0xFFFFFFE0]  }
0xab: {  	v3 =	vld [tilespmem:s28+$0xFFFFFFF0]  }
0xac: {  	v1 =	vld [tilespmem:s28+$0x0]  }
0xad: {  	s25 =	simm.s32 $0x19550;
	v2 =	vld [tilespmem:s28+$0x10]  }
0xae: {  	s26 =	simm.s32 $0x1A1D0;
	v16 =	vld [tilespmem:s25+$0x40]  }
0xaf: {  	v19 =	vld [tilespmem:s26+$0x40]  }
0xb0: {  	v6 =	vld [tilespmem:s28+$0x20]  }
0xb1: {  	v5 =	vld [tilespmem:s28+$0x30]  }
0xb2: {  	v25 =	vld [tilespmem:s28+$0xFFFFFFB0]  }
0xb3: {  	v17 =	vld [tilespmem:s26+$0xFFFFFFB0]  }
0xb4: {  	v18 =	vld [tilespmem:s26+$0xFFFFFFC0]  }
0xb5: {  	v14 =	vld [tilespmem:s26+$0xFFFFFFD0]  }
0xb6: {  	v13 =	vld [tilespmem:s26+$0xFFFFFFE0]  }
0xb7: {  	v12 =	vld [tilespmem:s26+$0xFFFFFFF0]  }
0xb8: {  	v35 =	vld [tilespmem:s25+$0xFFFFFFB0]  }
0xb9: {  	v36 =	vld [tilespmem:s25+$0xFFFFFFC0]  }
0xba: {  	v24 =	vld [tilespmem:s25+$0xFFFFFFD0]  }
0xbb: {  	v23 =	vld [tilespmem:s25+$0xFFFFFFE0]  }
0xbc: {  	v22 =	vld [tilespmem:s25+$0xFFFFFFF0]  }
0xbd: {  	v9 =	vld.idx.msk [tilespmem:v8+s3+$0x0], $0xffff  }
0xbe: {  	v26 =	vld.idx.msk [tilespmem:v15+s3+$0x0], $0xffff  }
0xbf: {  	v27 =	vld.idx.msk [tilespmem:v7+s3+$0x0], $0xffff  }
0xc0: {  	v28 =	vld.idx.msk [tilespmem:v4+s3+$0x0], $0xffff  }
0xc1: {  	v29 =	vld.idx.msk [tilespmem:v3+s3+$0x0], $0xffff  }
0xc2: {  	v31 =	vld.idx.msk [tilespmem:v25+s3+$0x0], $0xffff  }
0xc3: {  	v30 =	vld.idx.msk [tilespmem:v1+s3+$0x0], $0xffff  }
0xc4: {  	v32 =	vld.idx.msk [tilespmem:v2+s3+$0x0], $0xffff  }
0xc5: {  	v33 =	vld.idx.msk [tilespmem:v6+s3+$0x0], $0xffff  }
0xc6: {  	v10 =	vadd.s32 $0x2710, v8;
	v34 =	vld.idx.msk [tilespmem:v5+s3+$0x0], $0xffff;
	v9 =	vmul.f32 v9, v19  }
0xc7: {  	v11 =	vadd.s32 $0x4E20, v8;
	v20 =	vadd.s32 $0x7530, v8;
	v8 =	vld [tilespmem:s26+$0x10];
	v31 =	vmul.f32 v31, v17  }
0xc8: {  	v26 =	vmul.f32 v26, v18;
	[tilespmem:v16+s20+$0x0] =	vst.idx.add.f32.msk $0xffff, v9  }
0xc9: {  	v51 =	vadd.s32 $0x2710, v25;
	v27 =	vmul.f32 v27, v14;
	[tilespmem:v35+s20+$0x0] =	vst.idx.add.f32.msk $0xffff, v31  }
0xca: {  	v53 =	vadd.s32 $0x2710, v15;
	v28 =	vmul.f32 v28, v13;
	[tilespmem:v36+s20+$0x0] =	vst.idx.add.f32.msk $0xffff, v26  }
0xcb: {  	[tilespmem:v24+s20+$0x0] =	vst.idx.add.f32.msk $0xffff, v27  }
0xcc: {  	[tilespmem:v23+s20+$0x0] =	vst.idx.add.f32.msk $0xffff, v28  }
0xcd: {  	v55 =	vadd.s32 $0x2710, v7;
	v9 =	vld.idx.msk [tilespmem:v10+s3+$0x0], $0xffff  }
0xce: {  	v61 =	vadd.s32 $0x2710, v3;
	v52 =	vmul.f32 v29, v12;
	v57 =	vld.idx.msk [tilespmem:v51+s3+$0x0], $0xffff  }
0xcf: {  	v49 =	vadd.s32 $0x2710, v16;
	v27 =	vld.idx.msk [tilespmem:v53+s3+$0x0], $0xffff  }
0xd0: {  	v60 =	vadd.s32 $0x2710, v35;
	[tilespmem:v22+s20+$0x0] =	vst.idx.add.f32.msk $0xffff, v52  }
0xd1: {  	v63 =	vadd.s32 $0x2710, v36;
	v10 =	vld [tilespmem:s26+$0x30]  }
0xd2: {  	v26 =	vld.idx.msk [tilespmem:v55+s3+$0x0], $0xffff;
	v9 =	vmul.f32 v9, v19  }
0xd3: {  	v42 =	vld.idx.msk [tilespmem:v61+s3+$0x0], $0xffff;
	v29 =	vmul.f32 v57, v17  }
0xd4: {  	v40 =	vadd.s32 $0x2710, v24;
	v27 =	vmul.f32 v27, v18;
	[tilespmem:v49+s20+$0x0] =	vst.idx.add.f32.msk $0xffff, v9  }
0xd5: {  	v52 =	vadd.s32 $0x4E20, v15;
	[tilespmem:v60+s20+$0x0] =	vst.idx.add.f32.msk $0xffff, v29  }
0xd6: {  	v55 =	vadd.s32 $0x4E20, v7;
	[tilespmem:v63+s20+$0x0] =	vst.idx.add.f32.msk $0xffff, v27  }
0xd7: {  	v46 =	vadd.s32 $0x2710, v22;
	v26 =	vmul.f32 v26, v14;
	v9 =	vld.idx.msk [tilespmem:v11+s3+$0x0], $0xffff  }
0xd8: {  	v58 =	vadd.s32 $0x2710, v4;
	v11 =	vld [tilespmem:s26+$0x0]  }
0xd9: {  	v50 =	vadd.s32 $0x4E20, v16;
	[tilespmem:v40+s20+$0x0] =	vst.idx.add.f32.msk $0xffff, v26  }
0xda: {  	v56 =	vmul.f32 v32, v8;
	v29 =	vmul.f32 v42, v12;
	v32 =	vld.idx.msk [tilespmem:v52+s3+$0x0], $0xffff  }
0xdb: {  	v26 =	vld.idx.msk [tilespmem:v55+s3+$0x0], $0xffff  }
0xdc: {  	[tilespmem:v46+s20+$0x0] =	vst.idx.add.f32.msk $0xffff, v29;
	v21 =	vmul.f32 v9, v19  }
0xdd: {  	v60 =	vadd.s32 $0x4E20, v36;
	v54 =	vmul.f32 v30, v11;
	v30 =	vld.idx.msk [tilespmem:v58+s3+$0x0], $0xffff  }
0xde: {  	v15 =	vadd.s32 $0x7530, v15;
	[tilespmem:v50+s20+$0x0] =	vst.idx.add.f32.msk $0xffff, v21  }
0xdf: {  	v41 =	vadd.s32 $0x2710, v23;
	v20 =	vld.idx.msk [tilespmem:v20+s3+$0x0], $0xffff  }
0xe0: {  	v9 =	vld [tilespmem:s26+$0x20];
	v32 =	vmul.f32 v32, v18  }
0xe1: {  	v16 =	vadd.s32 $0x7530, v16;
	v21 =	vld [tilespmem:s25+$0x0]  }
0xe2: {  	[tilespmem:v60+s20+$0x0] =	vst.idx.add.f32.msk $0xffff, v32;
	v30 =	vmul.f32 v30, v13  }
0xe3: {  	v15 =	vld.idx.msk [tilespmem:v15+s3+$0x0], $0xffff  }
0xe4: {  	[tilespmem:v41+s20+$0x0] =	vst.idx.add.f32.msk $0xffff, v30;
	v19 =	vmul.f32 v20, v19  }
0xe5: {  	v0 =	vadd.s32 $0x2710, v1;
	v20 =	vld [tilespmem:s25+$0x10]  }
0xe6: {  	v57 =	vadd.s32 $0x4E20, v4;
	[tilespmem:v16+s20+$0x0] =	vst.idx.add.f32.msk $0xffff, v19  }
0xe7: {  	v41 =	vadd.s32 $0x4E20, v24;
	v19 =	vld [tilespmem:s25+$0x20]  }
0xe8: {  	v7 =	vadd.s32 $0x7530, v7;
	v16 =	vld [tilespmem:s25+$0x30]  }
0xe9: {  	[tilespmem:v21+s20+$0x0] =	vst.idx.add.f32.msk $0xffff, v54  }
0xea: {  	v49 =	vadd.s32 $0x4E20, v25;
	v26 =	vmul.f32 v26, v14;
	v45 =	vld.idx.msk [tilespmem:v0+s3+$0x0], $0xffff  }
0xeb: {  	v37 =	vadd.s32 $0x2710, v2;
	v0 =	vld.idx.msk [tilespmem:v57+s3+$0x0], $0xffff  }
0xec: {  	[tilespmem:v41+s20+$0x0] =	vst.idx.add.f32.msk $0xffff, v26  }
0xed: {  	v7 =	vld.idx.msk [tilespmem:v7+s3+$0x0], $0xffff  }
0xee: {  	v47 =	vadd.s32 $0x2710, v21;
	[tilespmem:v20+s20+$0x0] =	vst.idx.add.f32.msk $0xffff, v56  }
0xef: {  	v43 =	vadd.s32 $0x2710, v6;
	v59 =	vmul.f32 v33, v9;
	v56 =	vld.idx.msk [tilespmem:v49+s3+$0x0], $0xffff  }
0xf0: {  	v44 =	vadd.s32 $0x2710, v5;
	v62 =	vmul.f32 v34, v10;
	v48 =	vld.idx.msk [tilespmem:v37+s3+$0x0], $0xffff  }
0xf1: {  	v55 =	vadd.s32 $0x7530, v24;
	v31 =	vmul.f32 v45, v11;
	[tilespmem:v19+s20+$0x0] =	vst.idx.add.f32.msk $0xffff, v59  }
0xf2: {  	v58 =	vadd.s32 $0x4E20, v35;
	[tilespmem:v16+s20+$0x0] =	vst.idx.add.f32.msk $0xffff, v62  }
0xf3: {  	[tilespmem:v47+s20+$0x0] =	vst.idx.add.f32.msk $0xffff, v31;
	v59 =	vadd.s32 $0x4E20, v3  }
0xf4: {  	v50 =	vadd.s32 $0x2710, v20;
	v7 =	vmul.f32 v7, v14;
	v51 =	vld.idx.msk [tilespmem:v43+s3+$0x0], $0xffff  }
0xf5: {  	v27 =	vld.idx.msk [tilespmem:v44+s3+$0x0], $0xffff;
	v44 =	vadd.s32 $0x4E20, v23;
	v62 =	vmul.f32 v56, v17  }
0xf6: {  	v25 =	vadd.s32 $0x7530, v25;
	[tilespmem:v55+s20+$0x0] =	vst.idx.add.f32.msk $0xffff, v7  }
0xf7: {  	v63 =	vadd.s32 $0x4E20, v2;
	v33 =	vmul.f32 v48, v8;
	[tilespmem:v58+s20+$0x0] =	vst.idx.add.f32.msk $0xffff, v62  }
0xf8: {  	v4 =	vadd.s32 $0x7530, v4;
	v34 =	vmul.f32 v0, v13;
	v42 =	vld.idx.msk [tilespmem:v59+s3+$0x0], $0xffff  }
0xf9: {  	v53 =	vadd.s32 $0x2710, v19;
	[tilespmem:v50+s20+$0x0] =	vst.idx.add.f32.msk $0xffff, v33  }
0xfa: {  	v54 =	vadd.s32 $0x2710, v16;
	[tilespmem:v44+s20+$0x0] =	vst.idx.add.f32.msk $0xffff, v34  }
0xfb: {  	v61 =	vadd.s32 $0x4E20, v1;
	v25 =	vld.idx.msk [tilespmem:v25+s3+$0x0], $0xffff  }
0xfc: {  	v40 =	vadd.s32 $0x4E20, v6;
	v30 =	vmul.f32 v51, v9;
	v31 =	vld.idx.msk [tilespmem:v63+s3+$0x0], $0xffff  }
0xfd: {  	v43 =	vadd.s32 $0x4E20, v5;
	v27 =	vmul.f32 v27, v10;
	v4 =	vld.idx.msk [tilespmem:v4+s3+$0x0], $0xffff  }
0xfe: {  	v46 =	vadd.s32 $0x4E20, v22;
	[tilespmem:v53+s20+$0x0] =	vst.idx.add.f32.msk $0xffff, v30  }
0xff: {  	v52 =	vadd.s32 $0x7530, v35;
	[tilespmem:v54+s20+$0x0] =	vst.idx.add.f32.msk $0xffff, v27  }
0x100: {  	v3 =	vadd.s32 $0x7530, v3;
	v27 =	vld.idx.msk [tilespmem:v61+s3+$0x0], $0xffff  }
0x101: {  	v49 =	vadd.s32 $0x4E20, v20;
	v45 =	vld.idx.msk [tilespmem:v40+s3+$0x0], $0xffff;
	v30 =	vmul.f32 v42, v12  }
0x102: {  	v47 =	vadd.s32 $0x4E20, v21;
	v48 =	vld.idx.msk [tilespmem:v43+s3+$0x0], $0xffff;
	v17 =	vmul.f32 v25, v17  }
0x103: {  	v2 =	vadd.s32 $0x7530, v2;
	[tilespmem:v46+s20+$0x0] =	vst.idx.add.f32.msk $0xffff, v30  }
0x104: {  	v50 =	vadd.s32 $0x4E20, v19;
	v31 =	vmul.f32 v31, v8;
	[tilespmem:v52+s20+$0x0] =	vst.idx.add.f32.msk $0xffff, v17  }
0x105: {  	v51 =	vadd.s32 $0x4E20, v16;
	v27 =	vmul.f32 v27, v11;
	v3 =	vld.idx.msk [tilespmem:v3+s3+$0x0], $0xffff  }
0x106: {  	v1 =	vadd.s32 $0x7530, v1;
	[tilespmem:v49+s20+$0x0] =	vst.idx.add.f32.msk $0xffff, v31  }
0x107: {  	v6 =	vadd.s32 $0x7530, v6;
	v54 =	vmul.f32 v45, v9;
	[tilespmem:v47+s20+$0x0] =	vst.idx.add.f32.msk $0xffff, v27  }
0x108: {  	v5 =	vadd.s32 $0x7530, v5;
	v28 =	vmul.f32 v48, v10;
	v2 =	vld.idx.msk [tilespmem:v2+s3+$0x0], $0xffff  }
0x109: {  	v53 =	vadd.s32 $0x7530, v36;
	[tilespmem:v50+s20+$0x0] =	vst.idx.add.f32.msk $0xffff, v54  }
0x10a: {  	v56 =	vadd.s32 $0x7530, v23;
	[tilespmem:v51+s20+$0x0] =	vst.idx.add.f32.msk $0xffff, v28  }
0x10b: {  	v57 =	vadd.s32 $0x7530, v22;
	v1 =	vld.idx.msk [tilespmem:v1+s3+$0x0], $0xffff  }
0x10c: {  	v15 =	vmul.f32 v15, v18;
	v59 =	vadd.s32 $0x7530, v20;
	v6 =	vld.idx.msk [tilespmem:v6+s3+$0x0], $0xffff  }
0x10d: {  	v58 =	vadd.s32 $0x7530, v21;
	v4 =	vmul.f32 v4, v13;
	v5 =	vld.idx.msk [tilespmem:v5+s3+$0x0], $0xffff  }
0x10e: {  	v60 =	vadd.s32 $0x7530, v19;
	[tilespmem:v53+s20+$0x0] =	vst.idx.add.f32.msk $0xffff, v15;
	v3 =	vmul.f32 v3, v12  }
0x10f: {  	v61 =	vadd.s32 $0x7530, v16;
	[tilespmem:v56+s20+$0x0] =	vst.idx.add.f32.msk $0xffff, v4;
	v2 =	vmul.f32 v2, v8  }
0x110: {  	[tilespmem:v57+s20+$0x0] =	vst.idx.add.f32.msk $0xffff, v3;
	v1 =	vmul.f32 v1, v11  }
0x111: {  	v62 =	vmul.f32 v6, v9;
	[tilespmem:v59+s20+$0x0] =	vst.idx.add.f32.msk $0xffff, v2  }
0x112: {  	v63 =	vmul.f32 v5, v10;
	[tilespmem:v58+s20+$0x0] =	vst.idx.add.f32.msk $0xffff, v1  }
0x113: {  	[tilespmem:v60+s20+$0x0] =	vst.idx.add.f32.msk $0xffff, v62  }
0x114: {  	s29 =	simm.s32 $0x18970;
	s28 =	simm.s32 $0x0;
	[tilespmem:v61+s20+$0x0] =	vst.idx.add.f32.msk $0xffff, v63  }
.LBB2_13:
0x115: {  	v18 =	vld [tilespmem:s29+$0x40]  }
0x116: {  	v7 =	vld [tilespmem:s29+$0xFFFFFFC0]  }
0x117: {  	v8 =	vld [tilespmem:s29+$0xFFFFFFD0]  }
0x118: {  	v12 =	vld [tilespmem:s29+$0xFFFFFFE0]  }
0x119: {  	v14 =	vld [tilespmem:s29+$0xFFFFFFF0]  }
0x11a: {  	v16 =	vld [tilespmem:s29+$0x0]  }
0x11b: {  	v17 =	vld [tilespmem:s29+$0x10]  }
0x11c: {  	v20 =	vld [tilespmem:s29+$0x20]  }
0x11d: {  	v22 =	vld [tilespmem:s29+$0x30]  }
0x11e: {  	s25 =	sadd.s32 $0xA0, s25;
	v23 =	vld [tilespmem:s29+$0xFFFFFFB0]  }
0x11f: {  	s26 =	sadd.s32 $0xA0, s26;
	v32 =	vld [tilespmem:s25+$0x40]  }
0x120: {  	v34 =	vld [tilespmem:s26+$0x40]  }
0x121: {  	v54 =	vld [tilespmem:s25+$0xFFFFFFE0]  }
0x122: {  	v55 =	vld [tilespmem:s25+$0xFFFFFFF0];
	v59 =	vadd.s32 $0x7530, v12  }
0x123: {  	v0 =	vadd.s32 $0x7530, v7;
	[tilespmem:$0x1FFB0] =	vst v59;
	v59 =	vld [tilespmem:s25+$0x0]  }
0x124: {  	[tilespmem:$0x1FF90] =	vst v0;
	v0 =	vld [tilespmem:s25+$0x30]  }
0x125: {  	v19 =	vld.idx.msk [tilespmem:v18+s3+$0x0], $0xffff  }
0x126: {  	v36 =	vld.idx.msk [tilespmem:v7+s3+$0x0], $0xffff  }
0x127: {  	v37 =	vld.idx.msk [tilespmem:v8+s3+$0x0], $0xffff  }
0x128: {  	v38 =	vld.idx.msk [tilespmem:v12+s3+$0x0], $0xffff  }
0x129: {  	v1 =	vld.idx.msk [tilespmem:v14+s3+$0x0], $0xffff  }
0x12a: {  	v39 =	vld.idx.msk [tilespmem:v16+s3+$0x0], $0xffff  }
0x12b: {  	v2 =	vld.idx.msk [tilespmem:v23+s3+$0x0], $0xffff  }
0x12c: {  	v28 =	vadd.s32 $0x2710, v8;
	v41 =	vld.idx.msk [tilespmem:v17+s3+$0x0], $0xffff  }
0x12d: {  	v10 =	vadd.s32 $0x4E20, v8;
	v58 =	vadd.s32 $0x7530, v8;
	v29 =	vadd.s32 $0x2710, v12;
	v43 =	vld.idx.msk [tilespmem:v20+s3+$0x0], $0xffff  }
0x12e: {  	v11 =	vadd.s32 $0x4E20, v12;
	v31 =	vadd.s32 $0x2710, v14;
	v13 =	vadd.s32 $0x4E20, v14;
	v44 =	vld.idx.msk [tilespmem:v22+s3+$0x0], $0xffff  }
0x12f: {  	v60 =	vadd.s32 $0x7530, v14;
	v33 =	vadd.s32 $0x2710, v16;
	v24 =	vadd.s32 $0x2710, v18;
	v14 =	vld [tilespmem:s26+$0xFFFFFFB0]  }
0x130: {  	v45 =	vadd.s32 $0x2710, v23;
	v30 =	vadd.s32 $0x4E20, v23;
	v12 =	vadd.s32 $0x7530, v23;
	v23 =	vld [tilespmem:s26+$0xFFFFFFC0]  }
0x131: {  	v15 =	vadd.s32 $0x4E20, v16;
	v61 =	vadd.s32 $0x7530, v16;
	v16 =	vld [tilespmem:s26+$0xFFFFFFE0];
	v19 =	vmul.f32 v19, v34  }
0x132: {  	v42 =	vadd.s32 $0x2710, v22;
	v26 =	vadd.s32 $0x4E20, v22;
	v8 =	vadd.s32 $0x7530, v22;
	v22 =	vld [tilespmem:s26+$0x20]  }
0x133: {  	[tilespmem:v32+s20+$0x0] =	vst.idx.add.f32.msk $0xffff, v19  }
0x134: {  	v35 =	vadd.s32 $0x2710, v17;
	v19 =	vld.idx.msk [tilespmem:v24+s3+$0x0], $0xffff  }
0x135: {  	v40 =	vadd.s32 $0x2710, v20;
	v25 =	vadd.s32 $0x4E20, v20;
	v63 =	vadd.s32 $0x7530, v20;
	v20 =	vld [tilespmem:s26+$0xFFFFFFD0]  }
0x136: {  	v21 =	vadd.s32 $0x4E20, v17;
	v62 =	vadd.s32 $0x7530, v17;
	v3 =	vadd.s32 $0x2710, v32;
	v17 =	vld [tilespmem:s26+$0xFFFFFFF0]  }
0x137: {  	v4 =	vadd.s32 $0x4E20, v18;
	v53 =	vmul.f32 v43, v22;
	v43 =	vld [tilespmem:s25+$0xFFFFFFD0]  }
0x138: {  	v48 =	vadd.s32 $0x7530, v18;
	v18 =	vld [tilespmem:s26+$0x0];
	v51 =	vmul.f32 v38, v16  }
0x139: {  	v24 =	vld [tilespmem:s26+$0x30];
	v19 =	vmul.f32 v19, v34  }
0x13a: {  	[tilespmem:v54+s20+$0x0] =	vst.idx.add.f32.msk $0xffff, v51  }
0x13b: {  	[tilespmem:v3+s20+$0x0] =	vst.idx.add.f32.msk $0xffff, v19  }
0x13c: {  	v5 =	vld.idx.msk [tilespmem:v4+s3+$0x0], $0xffff  }
0x13d: {  	v50 =	vmul.f32 v37, v20;
	v19 =	vld [tilespmem:s26+$0x10]  }
0x13e: {  	v47 =	vadd.s32 $0x4E20, v32;
	v56 =	vmul.f32 v44, v24;
	v44 =	vld [tilespmem:s25+$0x20]  }
0x13f: {  	[tilespmem:v43+s20+$0x0] =	vst.idx.add.f32.msk $0xffff, v50  }
0x140: {  	[tilespmem:v0+s20+$0x0] =	vst.idx.add.f32.msk $0xffff, v56  }
0x141: {  	v56 =	vld.idx.msk [tilespmem:v29+s3+$0x0], $0xffff;
	v6 =	vmul.f32 v5, v34  }
0x142: {  	v52 =	vmul.f32 v41, v19;
	v41 =	vld [tilespmem:s25+$0xFFFFFFC0]  }
0x143: {  	[tilespmem:v47+s20+$0x0] =	vst.idx.add.f32.msk $0xffff, v6  }
0x144: {  	v47 =	vmul.f32 v1, v17;
	v1 =	vld [tilespmem:s25+$0x10]  }
0x145: {  	v49 =	vmul.f32 v36, v23;
	v36 =	vld.idx.msk [tilespmem:v48+s3+$0x0], $0xffff  }
0x146: {  	[tilespmem:v44+s20+$0x0] =	vst.idx.add.f32.msk $0xffff, v53  }
0x147: {  	v27 =	vadd.s32 $0x2710, v7;
	v9 =	vadd.s32 $0x4E20, v7;
	[tilespmem:$0x1FFE0] =	vst v62;
	v7 =	vadd.s32 $0x7530, v32;
	v53 =	vld.idx.msk [tilespmem:v28+s3+$0x0], $0xffff  }
0x148: {  	[tilespmem:$0x1FFF0] =	vst v63;
	v48 =	vmul.f32 v39, v18;
	v39 =	vld [tilespmem:s25+$0xFFFFFFB0]  }
0x149: {  	[tilespmem:v55+s20+$0x0] =	vst.idx.add.f32.msk $0xffff, v47  }
0x14a: {  	[tilespmem:v59+s20+$0x0] =	vst.idx.add.f32.msk $0xffff, v48;
	v36 =	vmul.f32 v36, v34  }
0x14b: {  	[tilespmem:v41+s20+$0x0] =	vst.idx.add.f32.msk $0xffff, v49  }
0x14c: {  	v46 =	vmul.f32 v2, v14;
	[tilespmem:v7+s20+$0x0] =	vst.idx.add.f32.msk $0xffff, v36  }
0x14d: {  	v37 =	vadd.s32 $0x7530, v54;
	v62 =	vadd.s32 $0x2710, v43;
	v63 =	vadd.s32 $0x4E20, v43;
	[tilespmem:v1+s20+$0x0] =	vst.idx.add.f32.msk $0xffff, v52  }
0x14e: {  	v3 =	vadd.s32 $0x2710, v54;
	v51 =	vadd.s32 $0x2710, v44;
	v36 =	vadd.s32 $0x7530, v43;
	v52 =	vld.idx.msk [tilespmem:v27+s3+$0x0], $0xffff  }
0x14f: {  	[tilespmem:$0x1FFA0] =	vst v58;
	v7 =	vadd.s32 $0x4E20, v54;
	v54 =	vadd.s32 $0x4E20, v44;
	v43 =	vadd.s32 $0x7530, v44;
	v44 =	vld.idx.msk [tilespmem:v33+s3+$0x0], $0xffff  }
0x150: {  	v5 =	vadd.s32 $0x4E20, v59;
	v57 =	vadd.s32 $0x2710, v39;
	v58 =	vadd.s32 $0x4E20, v39;
	[tilespmem:v39+s20+$0x0] =	vst.idx.add.f32.msk $0xffff, v46  }
0x151: {  	v32 =	vadd.s32 $0x7530, v39;
	v46 =	vadd.s32 $0x2710, v59;
	v39 =	vadd.s32 $0x7530, v59;
	v59 =	vld.idx.msk [tilespmem:v31+s3+$0x0], $0xffff  }
0x152: {  	v27 =	vmul.f32 v53, v20;
	v48 =	vld.idx.msk [tilespmem:v45+s3+$0x0], $0xffff  }
0x153: {  	v53 =	vmul.f32 v56, v16;
	v45 =	vld.idx.msk [tilespmem:v35+s3+$0x0], $0xffff  }
0x154: {  	[tilespmem:v62+s20+$0x0] =	vst.idx.add.f32.msk $0xffff, v27  }
0x155: {  	[tilespmem:v3+s20+$0x0] =	vst.idx.add.f32.msk $0xffff, v53  }
0x156: {  	[tilespmem:$0x1FFC0] =	vst v60;
	v2 =	vadd.s32 $0x2710, v55;
	v38 =	vadd.s32 $0x7530, v55;
	v60 =	vadd.s32 $0x2710, v41;
	v53 =	vld [tilespmem:$0x1FFB0]  }
0x157: {  	[tilespmem:$0x1FFD0] =	vst v61;
	v4 =	vadd.s32 $0x4E20, v0;
	v6 =	vadd.s32 $0x4E20, v55;
	v61 =	vadd.s32 $0x4E20, v41;
	v29 =	vld.idx.msk [tilespmem:v10+s3+$0x0], $0xffff  }
0x158: {  	v55 =	vadd.s32 $0x2710, v0;
	v49 =	vadd.s32 $0x2710, v1;
	v50 =	vadd.s32 $0x4E20, v1;
	v3 =	vld.idx.msk [tilespmem:v11+s3+$0x0], $0xffff  }
0x159: {  	v34 =	vadd.s32 $0x7530, v41;
	v41 =	vadd.s32 $0x7530, v1;
	v1 =	vmul.f32 v52, v23;
	v52 =	vld.idx.msk [tilespmem:v42+s3+$0x0], $0xffff  }
0x15a: {  	v47 =	vadd.s32 $0x7530, v0;
	v56 =	vmul.f32 v59, v17;
	v0 =	vmul.f32 v48, v14;
	v48 =	vld.idx.msk [tilespmem:v40+s3+$0x0], $0xffff  }
0x15b: {  	[tilespmem:v60+s20+$0x0] =	vst.idx.add.f32.msk $0xffff, v1  }
0x15c: {  	[tilespmem:v2+s20+$0x0] =	vst.idx.add.f32.msk $0xffff, v56  }
0x15d: {  	v28 =	vld.idx.msk [tilespmem:v9+s3+$0x0], $0xffff  }
0x15e: {  	v59 =	vmul.f32 v45, v19;
	v56 =	vld [tilespmem:$0x1FFE0]  }
0x15f: {  	[tilespmem:v57+s20+$0x0] =	vst.idx.add.f32.msk $0xffff, v0  }
0x160: {  	[tilespmem:v49+s20+$0x0] =	vst.idx.add.f32.msk $0xffff, v59  }
0x161: {  	v27 =	vld.idx.msk [tilespmem:v30+s3+$0x0], $0xffff  }
0x162: {  	v2 =	vmul.f32 v29, v20;
	v30 =	vld.idx.msk [tilespmem:v13+s3+$0x0], $0xffff  }
0x163: {  	v42 =	vmul.f32 v3, v16;
	v33 =	vld.idx.msk [tilespmem:v21+s3+$0x0], $0xffff  }
0x164: {  	[tilespmem:v63+s20+$0x0] =	vst.idx.add.f32.msk $0xffff, v2  }
0x165: {  	v57 =	vmul.f32 v44, v18;
	[tilespmem:v7+s20+$0x0] =	vst.idx.add.f32.msk $0xffff, v42  }
0x166: {  	v62 =	vmul.f32 v52, v24;
	v52 =	vld [tilespmem:$0x1FFA0]  }
0x167: {  	[tilespmem:v46+s20+$0x0] =	vst.idx.add.f32.msk $0xffff, v57  }
0x168: {  	v3 =	vld.idx.msk [tilespmem:v53+s3+$0x0], $0xffff  }
0x169: {  	v57 =	vld [tilespmem:$0x1FFF0]  }
0x16a: {  	[tilespmem:v55+s20+$0x0] =	vst.idx.add.f32.msk $0xffff, v62  }
0x16b: {  	v31 =	vld.idx.msk [tilespmem:v15+s3+$0x0], $0xffff  }
0x16c: {  	v60 =	vmul.f32 v48, v22;
	v55 =	vld [tilespmem:$0x1FFD0]  }
0x16d: {  	v40 =	vld.idx.msk [tilespmem:v26+s3+$0x0], $0xffff  }
0x16e: {  	[tilespmem:v51+s20+$0x0] =	vst.idx.add.f32.msk $0xffff, v60  }
0x16f: {  	v1 =	vmul.f32 v28, v23;
	v51 =	vld [tilespmem:$0x1FF90]  }
0x170: {  	v0 =	vmul.f32 v27, v14;
	v35 =	vld.idx.msk [tilespmem:v25+s3+$0x0], $0xffff  }
0x171: {  	[tilespmem:v61+s20+$0x0] =	vst.idx.add.f32.msk $0xffff, v1;
	v44 =	vmul.f32 v30, v17  }
0x172: {  	v46 =	vmul.f32 v33, v19;
	[tilespmem:v58+s20+$0x0] =	vst.idx.add.f32.msk $0xffff, v0  }
0x173: {  	[tilespmem:v6+s20+$0x0] =	vst.idx.add.f32.msk $0xffff, v44  }
0x174: {  	[tilespmem:v50+s20+$0x0] =	vst.idx.add.f32.msk $0xffff, v46  }
0x175: {  	v50 =	vld.idx.msk [tilespmem:v12+s3+$0x0], $0xffff  }
0x176: {  	v45 =	vmul.f32 v31, v18;
	v2 =	vld.idx.msk [tilespmem:v52+s3+$0x0], $0xffff  }
0x177: {  	v6 =	vld.idx.msk [tilespmem:v56+s3+$0x0], $0xffff;
	v48 =	vmul.f32 v35, v22  }
0x178: {  	[tilespmem:v5+s20+$0x0] =	vst.idx.add.f32.msk $0xffff, v45  }
0x179: {  	v58 =	vmul.f32 v3, v16;
	[tilespmem:v54+s20+$0x0] =	vst.idx.add.f32.msk $0xffff, v48  }
0x17a: {  	v49 =	vmul.f32 v40, v24;
	v54 =	vld [tilespmem:$0x1FFC0]  }
0x17b: {  	[tilespmem:v37+s20+$0x0] =	vst.idx.add.f32.msk $0xffff, v58  }
0x17c: {  	[tilespmem:v4+s20+$0x0] =	vst.idx.add.f32.msk $0xffff, v49  }
0x17d: {  	v5 =	vld.idx.msk [tilespmem:v55+s3+$0x0], $0xffff  }
0x17e: {  	v8 =	vld.idx.msk [tilespmem:v8+s3+$0x0], $0xffff  }
0x17f: {  	v1 =	vld.idx.msk [tilespmem:v51+s3+$0x0], $0xffff;
	v0 =	vmul.f32 v50, v14  }
0x180: {  	v7 =	vld.idx.msk [tilespmem:v57+s3+$0x0], $0xffff  }
0x181: {  	v2 =	vmul.f32 v2, v20;
	[tilespmem:v32+s20+$0x0] =	vst.idx.add.f32.msk $0xffff, v0  }
0x182: {  	v61 =	vmul.f32 v6, v19;
	v4 =	vld.idx.msk [tilespmem:v54+s3+$0x0], $0xffff  }
0x183: {  	s28 =	sadd.s32 $0xA, s28;
	[tilespmem:v36+s20+$0x0] =	vst.idx.add.f32.msk $0xffff, v2;
	v60 =	vmul.f32 v5, v18  }
0x184: {  	p0 =	slt.u32 s28, $0xBE;
	[tilespmem:v41+s20+$0x0] =	vst.idx.add.f32.msk $0xffff, v61;
	v63 =	vmul.f32 v8, v24  }
.Ltmp7:
0x185: {  	v1 =	vmul.f32 v1, v23;
	[tilespmem:v39+s20+$0x0] =	vst.idx.add.f32.msk $0xffff, v60;
	(pc) =	sbr.rel @p0 .LBB2_13-.Ltmp7, $4  }
0x186: {  	v62 =	vmul.f32 v7, v22;
	[tilespmem:v47+s20+$0x0] =	vst.idx.add.f32.msk $0xffff, v63  }
0x187: {  	[tilespmem:v34+s20+$0x0] =	vst.idx.add.f32.msk $0xffff, v1;
	v59 =	vmul.f32 v4, v17  }
0x188: {  	[tilespmem:v43+s20+$0x0] =	vst.idx.add.f32.msk $0xffff, v62  }
0x189: {  	s29 =	sadd.s32 $0xA0, s29;
	[tilespmem:v38+s20+$0x0] =	vst.idx.add.f32.msk $0xffff, v59  }
0x18a: {  	s25 =	sshll.u32 s24, $0x1  }
0x18b: {  	s25 =	smin.u32 s25, $0x61  }
0x18c: {  	s25 =	smul.u32 $0xC80, s25;
	_ =	sdelay $0x1  }
0x18d: {  	s25 =	sshrl.u32 s25, $0x3  }
0x18e: {  	s25 =	sadd.s32 $0x320, s25  }
0x18f: {  	s26 =	sadd.s32 s4, s25  }
0x190: {  	[tilespmem:s14], [sflag:$0x1] =	stream.linear.gather [hbm4b:s26+s3], $0xC80, $0x38;
	[tilespmem:$0x1D380] =	vst v63  }
0x191: {  	s31 =	sadd.s32 s2, s25  }
0x192: {  	[tilespmem:s15], [sflag:$0x1] =	stream.linear.gather [hbm4b:s31+s3], $0xC80, $0x38;
	[tilespmem:$0x1D380] =	vst v63  }
0x193: {  	s25 =	sadd.s32 s5, s25  }
0x194: {  	[tilespmem:s16], [sflag:$0x1] =	stream.linear.gather [hbm4b:s25+s3], $0xC80, $0x38;
	[tilespmem:$0x1D380] =	vst v63  }
0x195: {  	_ =	swait.ge [sflag:s21], $0xC80  }
0x196: {  	[sflag:s21] =	ssyncset.done $0x0  }
0x197: {  	[sflag:s21] =	ssyncadd.s32 $0xFFFFF380  }
0x198: {  	_ =	swait.ge [sflag:s21], $0xC80  }
0x199: {  	[sflag:s21] =	ssyncset.done $0x0  }
0x19a: {  	[sflag:s21] =	ssyncadd.s32 $0xFFFFF380  }
0x19b: {  	_ =	swait.ge [sflag:s21], $0xC80  }
0x19c: {  	[sflag:s21] =	ssyncset.done $0x0  }
0x19d: {  	s28 =	simm.s32 $0x1AE50;
	[sflag:s21] =	ssyncadd.s32 $0xFFFFF380  }
0x19e: {  	v0 =	vld [tilespmem:s28+$0x40]  }
0x19f: {  	v15 =	vld [tilespmem:s28+$0xFFFFFFC0]  }
0x1a0: {  	v7 =	vld [tilespmem:s28+$0xFFFFFFD0]  }
0x1a1: {  	v4 =	vld [tilespmem:s28+$0xFFFFFFE0]  }
0x1a2: {  	v3 =	vld [tilespmem:s28+$0xFFFFFFF0]  }
0x1a3: {  	v1 =	vld [tilespmem:s28+$0x0]  }
0x1a4: {  	s25 =	simm.s32 $0x1BAD0;
	v2 =	vld [tilespmem:s28+$0x10]  }
0x1a5: {  	s26 =	simm.s32 $0x1C750;
	v16 =	vld [tilespmem:s25+$0x40]  }
0x1a6: {  	v19 =	vld [tilespmem:s26+$0x40]  }
0x1a7: {  	v6 =	vld [tilespmem:s28+$0x20]  }
0x1a8: {  	v5 =	vld [tilespmem:s28+$0x30]  }
0x1a9: {  	v25 =	vld [tilespmem:s28+$0xFFFFFFB0]  }
0x1aa: {  	v17 =	vld [tilespmem:s26+$0xFFFFFFB0]  }
0x1ab: {  	v18 =	vld [tilespmem:s26+$0xFFFFFFC0]  }
0x1ac: {  	v14 =	vld [tilespmem:s26+$0xFFFFFFD0]  }
0x1ad: {  	v13 =	vld [tilespmem:s26+$0xFFFFFFE0]  }
0x1ae: {  	v12 =	vld [tilespmem:s26+$0xFFFFFFF0]  }
0x1af: {  	v11 =	vld [tilespmem:s26+$0x0]  }
0x1b0: {  	v35 =	vld [tilespmem:s25+$0xFFFFFFB0]  }
0x1b1: {  	v36 =	vld [tilespmem:s25+$0xFFFFFFC0]  }
0x1b2: {  	v24 =	vld [tilespmem:s25+$0xFFFFFFD0]  }
0x1b3: {  	v23 =	vld [tilespmem:s25+$0xFFFFFFE0]  }
0x1b4: {  	v22 =	vld [tilespmem:s25+$0xFFFFFFF0]  }
0x1b5: {  	v21 =	vld [tilespmem:s25+$0x0]  }
0x1b6: {  	v8 =	vld.idx.msk [tilespmem:v0+s3+$0x0], $0xffff  }
0x1b7: {  	v26 =	vld.idx.msk [tilespmem:v15+s3+$0x0], $0xffff  }
0x1b8: {  	v27 =	vld.idx.msk [tilespmem:v7+s3+$0x0], $0xffff  }
0x1b9: {  	v28 =	vld.idx.msk [tilespmem:v4+s3+$0x0], $0xffff  }
0x1ba: {  	v31 =	vld.idx.msk [tilespmem:v25+s3+$0x0], $0xffff  }
0x1bb: {  	v29 =	vld.idx.msk [tilespmem:v3+s3+$0x0], $0xffff  }
0x1bc: {  	v30 =	vld.idx.msk [tilespmem:v1+s3+$0x0], $0xffff  }
0x1bd: {  	v32 =	vld.idx.msk [tilespmem:v2+s3+$0x0], $0xffff  }
0x1be: {  	v33 =	vld.idx.msk [tilespmem:v6+s3+$0x0], $0xffff;
	v8 =	vmul.f32 v8, v19  }
0x1bf: {  	v34 =	vld.idx.msk [tilespmem:v5+s3+$0x0], $0xffff;
	v51 =	vmul.f32 v31, v17  }
0x1c0: {  	v26 =	vmul.f32 v26, v18;
	[tilespmem:v16+s20+$0x0] =	vst.idx.add.f32.msk $0xffff, v8  }
0x1c1: {  	v9 =	vadd.s32 $0x2710, v0;
	v27 =	vmul.f32 v27, v14;
	[tilespmem:v35+s20+$0x0] =	vst.idx.add.f32.msk $0xffff, v51  }
0x1c2: {  	v28 =	vmul.f32 v28, v13;
	[tilespmem:v36+s20+$0x0] =	vst.idx.add.f32.msk $0xffff, v26  }
0x1c3: {  	v54 =	vadd.s32 $0x2710, v15;
	v53 =	vmul.f32 v29, v12;
	[tilespmem:v24+s20+$0x0] =	vst.idx.add.f32.msk $0xffff, v27  }
0x1c4: {  	v56 =	vadd.s32 $0x2710, v7;
	[tilespmem:v23+s20+$0x0] =	vst.idx.add.f32.msk $0xffff, v28  }
0x1c5: {  	v58 =	vadd.s32 $0x2710, v4;
	v55 =	vmul.f32 v30, v11;
	[tilespmem:v22+s20+$0x0] =	vst.idx.add.f32.msk $0xffff, v53  }
0x1c6: {  	v61 =	vadd.s32 $0x2710, v3;
	v8 =	vld.idx.msk [tilespmem:v9+s3+$0x0], $0xffff  }
0x1c7: {  	v37 =	vadd.s32 $0x2710, v1;
	[tilespmem:v21+s20+$0x0] =	vst.idx.add.f32.msk $0xffff, v55  }
0x1c8: {  	v49 =	vadd.s32 $0x2710, v16;
	v27 =	vld.idx.msk [tilespmem:v54+s3+$0x0], $0xffff  }
0x1c9: {  	v26 =	vld.idx.msk [tilespmem:v56+s3+$0x0], $0xffff  }
0x1ca: {  	v63 =	vadd.s32 $0x2710, v36;
	v29 =	vld.idx.msk [tilespmem:v58+s3+$0x0], $0xffff  }
0x1cb: {  	v38 =	vadd.s32 $0x2710, v24;
	v41 =	vld.idx.msk [tilespmem:v61+s3+$0x0], $0xffff;
	v8 =	vmul.f32 v8, v19  }
0x1cc: {  	v40 =	vadd.s32 $0x2710, v23;
	v44 =	vld.idx.msk [tilespmem:v37+s3+$0x0], $0xffff  }
0x1cd: {  	v45 =	vadd.s32 $0x2710, v22;
	v27 =	vmul.f32 v27, v18;
	[tilespmem:v49+s20+$0x0] =	vst.idx.add.f32.msk $0xffff, v8  }
0x1ce: {  	v10 =	vadd.s32 $0x4E20, v0;
	v26 =	vmul.f32 v26, v14;
	v8 =	vld [tilespmem:s26+$0x10]  }
0x1cf: {  	v46 =	vadd.s32 $0x2710, v21;
	v29 =	vmul.f32 v29, v13;
	[tilespmem:v63+s20+$0x0] =	vst.idx.add.f32.msk $0xffff, v27  }
0x1d0: {  	v28 =	vmul.f32 v41, v12;
	[tilespmem:v38+s20+$0x0] =	vst.idx.add.f32.msk $0xffff, v26  }
0x1d1: {  	v54 =	vadd.s32 $0x4E20, v7;
	[tilespmem:v40+s20+$0x0] =	vst.idx.add.f32.msk $0xffff, v29  }
0x1d2: {  	v56 =	vadd.s32 $0x4E20, v4;
	v30 =	vmul.f32 v44, v11;
	[tilespmem:v45+s20+$0x0] =	vst.idx.add.f32.msk $0xffff, v28  }
0x1d3: {  	v9 =	vld.idx.msk [tilespmem:v10+s3+$0x0], $0xffff  }
0x1d4: {  	v51 =	vadd.s32 $0x4E20, v15;
	[tilespmem:v46+s20+$0x0] =	vst.idx.add.f32.msk $0xffff, v30  }
0x1d5: {  	v50 =	vadd.s32 $0x4E20, v16;
	v10 =	vld [tilespmem:s26+$0x30]  }
0x1d6: {  	v0 =	vadd.s32 $0x7530, v0;
	v26 =	vld.idx.msk [tilespmem:v54+s3+$0x0], $0xffff  }
0x1d7: {  	v63 =	vld.idx.msk [tilespmem:v56+s3+$0x0], $0xffff  }
0x1d8: {  	v38 =	vadd.s32 $0x4E20, v24;
	v20 =	vmul.f32 v9, v19;
	v9 =	vld [tilespmem:s26+$0x20]  }
0x1d9: {  	v7 =	vadd.s32 $0x7530, v7;
	v31 =	vld.idx.msk [tilespmem:v51+s3+$0x0], $0xffff  }
0x1da: {  	v41 =	vadd.s32 $0x4E20, v23;
	[tilespmem:v50+s20+$0x0] =	vst.idx.add.f32.msk $0xffff, v20  }
0x1db: {  	v26 =	vmul.f32 v26, v14;
	v0 =	vld.idx.msk [tilespmem:v0+s3+$0x0], $0xffff  }
0x1dc: {  	v4 =	vadd.s32 $0x7530, v4;
	v20 =	vld [tilespmem:s25+$0x10]  }
0x1dd: {  	v16 =	vadd.s32 $0x7530, v16;
	[tilespmem:v38+s20+$0x0] =	vst.idx.add.f32.msk $0xffff, v26;
	v59 =	vmul.f32 v33, v9;
	v33 =	vmul.f32 v63, v13  }
0x1de: {  	v52 =	vadd.s32 $0x2710, v25;
	v54 =	vld.idx.msk [tilespmem:v7+s3+$0x0], $0xffff  }
0x1df: {  	[tilespmem:v41+s20+$0x0] =	vst.idx.add.f32.msk $0xffff, v33  }
0x1e0: {  	v0 =	vmul.f32 v0, v19;
	v19 =	vld [tilespmem:s25+$0x20]  }
0x1e1: {  	v39 =	vadd.s32 $0x2710, v2;
	v4 =	vld.idx.msk [tilespmem:v4+s3+$0x0], $0xffff  }
0x1e2: {  	v58 =	vadd.s32 $0x4E20, v3;
	[tilespmem:v16+s20+$0x0] =	vst.idx.add.f32.msk $0xffff, v0  }
0x1e3: {  	v56 =	vadd.s32 $0x7530, v23;
	v57 =	vmul.f32 v32, v8;
	v0 =	vld.idx.msk [tilespmem:v52+s3+$0x0], $0xffff  }
0x1e4: {  	v16 =	vld [tilespmem:s25+$0x30]  }
0x1e5: {  	v60 =	vadd.s32 $0x2710, v35;
	[tilespmem:v20+s20+$0x0] =	vst.idx.add.f32.msk $0xffff, v57  }
0x1e6: {  	v42 =	vadd.s32 $0x2710, v6;
	v47 =	vld.idx.msk [tilespmem:v39+s3+$0x0], $0xffff;
	v4 =	vmul.f32 v4, v13  }
0x1e7: {  	v39 =	vld.idx.msk [tilespmem:v58+s3+$0x0], $0xffff  }
0x1e8: {  	v48 =	vadd.s32 $0x4E20, v25;
	v0 =	vmul.f32 v0, v17;
	[tilespmem:v56+s20+$0x0] =	vst.idx.add.f32.msk $0xffff, v4  }
0x1e9: {  	v49 =	vadd.s32 $0x2710, v20;
	[tilespmem:v19+s20+$0x0] =	vst.idx.add.f32.msk $0xffff, v59  }
0x1ea: {  	v43 =	vadd.s32 $0x2710, v5;
	v62 =	vmul.f32 v34, v10;
	[tilespmem:v60+s20+$0x0] =	vst.idx.add.f32.msk $0xffff, v0  }
0x1eb: {  	v59 =	vadd.s32 $0x4E20, v36;
	v50 =	vld.idx.msk [tilespmem:v42+s3+$0x0], $0xffff  }
0x1ec: {  	v15 =	vadd.s32 $0x7530, v15;
	v32 =	vmul.f32 v47, v8;
	[tilespmem:v16+s20+$0x0] =	vst.idx.add.f32.msk $0xffff, v62  }
0x1ed: {  	v55 =	vld.idx.msk [tilespmem:v48+s3+$0x0], $0xffff;
	v62 =	vadd.s32 $0x4E20, v2  }
0x1ee: {  	v31 =	vmul.f32 v31, v18;
	v52 =	vadd.s32 $0x2710, v19;
	[tilespmem:v49+s20+$0x0] =	vst.idx.add.f32.msk $0xffff, v32  }
0x1ef: {  	v57 =	vadd.s32 $0x4E20, v35;
	v27 =	vld.idx.msk [tilespmem:v43+s3+$0x0], $0xffff  }
0x1f0: {  	v37 =	vadd.s32 $0x4E20, v6;
	[tilespmem:v59+s20+$0x0] =	vst.idx.add.f32.msk $0xffff, v31  }
0x1f1: {  	v53 =	vadd.s32 $0x2710, v16;
	v29 =	vmul.f32 v50, v9;
	v15 =	vld.idx.msk [tilespmem:v15+s3+$0x0], $0xffff  }
0x1f2: {  	v60 =	vadd.s32 $0x4E20, v1;
	v61 =	vmul.f32 v55, v17;
	v30 =	vld.idx.msk [tilespmem:v62+s3+$0x0], $0xffff  }
0x1f3: {  	v25 =	vadd.s32 $0x7530, v25;
	[tilespmem:v52+s20+$0x0] =	vst.idx.add.f32.msk $0xffff, v29  }
0x1f4: {  	v43 =	vadd.s32 $0x4E20, v22;
	v27 =	vmul.f32 v27, v10;
	[tilespmem:v57+s20+$0x0] =	vst.idx.add.f32.msk $0xffff, v61  }
0x1f5: {  	v40 =	vadd.s32 $0x4E20, v5;
	v42 =	vld.idx.msk [tilespmem:v37+s3+$0x0], $0xffff  }
0x1f6: {  	v3 =	vadd.s32 $0x7530, v3;
	[tilespmem:v53+s20+$0x0] =	vst.idx.add.f32.msk $0xffff, v27  }
0x1f7: {  	v55 =	vadd.s32 $0x7530, v24;
	v29 =	vmul.f32 v39, v12;
	v27 =	vld.idx.msk [tilespmem:v60+s3+$0x0], $0xffff  }
0x1f8: {  	v46 =	vadd.s32 $0x4E20, v20;
	v25 =	vld.idx.msk [tilespmem:v25+s3+$0x0], $0xffff  }
0x1f9: {  	v52 =	vadd.s32 $0x7530, v2;
	[tilespmem:v43+s20+$0x0] =	vst.idx.add.f32.msk $0xffff, v29  }
0x1fa: {  	v47 =	vadd.s32 $0x4E20, v19;
	v53 =	vadd.s32 $0x7530, v6;
	v6 =	vmul.f32 v54, v14;
	v45 =	vld.idx.msk [tilespmem:v40+s3+$0x0], $0xffff  }
0x1fb: {  	v44 =	vadd.s32 $0x4E20, v21;
	v3 =	vld.idx.msk [tilespmem:v3+s3+$0x0], $0xffff;
	v30 =	vmul.f32 v30, v8  }
0x1fc: {  	[tilespmem:v55+s20+$0x0] =	vst.idx.add.f32.msk $0xffff, v6  }
0x1fd: {  	v48 =	vadd.s32 $0x4E20, v16;
	v51 =	vmul.f32 v42, v9;
	[tilespmem:v46+s20+$0x0] =	vst.idx.add.f32.msk $0xffff, v30  }
0x1fe: {  	v1 =	vadd.s32 $0x7530, v1;
	v27 =	vmul.f32 v27, v11;
	v0 =	vld.idx.msk [tilespmem:v52+s3+$0x0], $0xffff  }
0x1ff: {  	v5 =	vadd.s32 $0x7530, v5;
	[tilespmem:v47+s20+$0x0] =	vst.idx.add.f32.msk $0xffff, v51  }
0x200: {  	v50 =	vadd.s32 $0x7530, v36;
	v26 =	vmul.f32 v45, v10;
	[tilespmem:v44+s20+$0x0] =	vst.idx.add.f32.msk $0xffff, v27  }
0x201: {  	v49 =	vadd.s32 $0x7530, v35;
	v2 =	vld.idx.msk [tilespmem:v53+s3+$0x0], $0xffff  }
0x202: {  	v57 =	vadd.s32 $0x7530, v22;
	[tilespmem:v48+s20+$0x0] =	vst.idx.add.f32.msk $0xffff, v26  }
0x203: {  	v59 =	vadd.s32 $0x7530, v20;
	v15 =	vmul.f32 v15, v18;
	v1 =	vld.idx.msk [tilespmem:v1+s3+$0x0], $0xffff  }
0x204: {  	v60 =	vadd.s32 $0x7530, v19;
	v17 =	vmul.f32 v25, v17;
	v5 =	vld.idx.msk [tilespmem:v5+s3+$0x0], $0xffff  }
0x205: {  	v58 =	vadd.s32 $0x7530, v21;
	[tilespmem:v50+s20+$0x0] =	vst.idx.add.f32.msk $0xffff, v15;
	v3 =	vmul.f32 v3, v12  }
0x206: {  	v61 =	vadd.s32 $0x7530, v16;
	[tilespmem:v49+s20+$0x0] =	vst.idx.add.f32.msk $0xffff, v17;
	v0 =	vmul.f32 v0, v8  }
0x207: {  	[tilespmem:v57+s20+$0x0] =	vst.idx.add.f32.msk $0xffff, v3;
	v62 =	vmul.f32 v2, v9  }
0x208: {  	[tilespmem:v59+s20+$0x0] =	vst.idx.add.f32.msk $0xffff, v0;
	v1 =	vmul.f32 v1, v11  }
0x209: {  	v63 =	vmul.f32 v5, v10;
	[tilespmem:v60+s20+$0x0] =	vst.idx.add.f32.msk $0xffff, v62  }
0x20a: {  	[tilespmem:v58+s20+$0x0] =	vst.idx.add.f32.msk $0xffff, v1  }
0x20b: {  	s29 =	simm.s32 $0x1AEF0;
	s28 =	simm.s32 $0x0;
	[tilespmem:v61+s20+$0x0] =	vst.idx.add.f32.msk $0xffff, v63  }
.LBB2_15:
0x20c: {  	v0 =	vld [tilespmem:s29+$0x40]  }
0x20d: {  	v7 =	vld [tilespmem:s29+$0xFFFFFFC0]  }
0x20e: {  	v8 =	vld [tilespmem:s29+$0xFFFFFFD0]  }
0x20f: {  	v12 =	vld [tilespmem:s29+$0xFFFFFFE0]  }
0x210: {  	v14 =	vld [tilespmem:s29+$0xFFFFFFF0]  }
0x211: {  	v16 =	vld [tilespmem:s29+$0x0]  }
0x212: {  	v17 =	vld [tilespmem:s29+$0x10]  }
0x213: {  	v19 =	vld [tilespmem:s29+$0x20]  }
0x214: {  	v20 =	vld [tilespmem:s29+$0x30]  }
0x215: {  	s25 =	sadd.s32 $0xA0, s25;
	v22 =	vld [tilespmem:s29+$0xFFFFFFB0]  }
0x216: {  	s26 =	sadd.s32 $0xA0, s26;
	v32 =	vld [tilespmem:s25+$0x40]  }
0x217: {  	v34 =	vld [tilespmem:s26+$0x40]  }
0x218: {  	v54 =	vld [tilespmem:s25+$0xFFFFFFE0]  }
0x219: {  	v55 =	vld [tilespmem:s25+$0xFFFFFFF0];
	v59 =	vadd.s32 $0x7530, v12  }
0x21a: {  	v63 =	vadd.s32 $0x7530, v19;
	[tilespmem:$0x1FF40] =	vst v59;
	v59 =	vld [tilespmem:s25+$0x0]  }
0x21b: {  	v1 =	vadd.s32 $0x7530, v7;
	[tilespmem:$0x1FF80] =	vst v63;
	v63 =	vld [tilespmem:s25+$0x10]  }
0x21c: {  	[tilespmem:$0x1FF20] =	vst v1;
	v1 =	vld [tilespmem:s25+$0x20]  }
0x21d: {  	v18 =	vld.idx.msk [tilespmem:v0+s3+$0x0], $0xffff  }
0x21e: {  	v24 =	vld.idx.msk [tilespmem:v7+s3+$0x0], $0xffff  }
0x21f: {  	v36 =	vld.idx.msk [tilespmem:v8+s3+$0x0], $0xffff  }
0x220: {  	v37 =	vld.idx.msk [tilespmem:v12+s3+$0x0], $0xffff  }
0x221: {  	v38 =	vld.idx.msk [tilespmem:v14+s3+$0x0], $0xffff  }
0x222: {  	v39 =	vld.idx.msk [tilespmem:v16+s3+$0x0], $0xffff  }
0x223: {  	v23 =	vadd.s32 $0x2710, v0;
	v3 =	vld.idx.msk [tilespmem:v22+s3+$0x0], $0xffff  }
0x224: {  	v41 =	vld.idx.msk [tilespmem:v17+s3+$0x0], $0xffff  }
0x225: {  	v43 =	vld.idx.msk [tilespmem:v19+s3+$0x0], $0xffff;
	v18 =	vmul.f32 v18, v34  }
0x226: {  	v44 =	vld.idx.msk [tilespmem:v20+s3+$0x0], $0xffff  }
0x227: {  	v28 =	vadd.s32 $0x2710, v8;
	v10 =	vadd.s32 $0x4E20, v8;
	[tilespmem:v32+s20+$0x0] =	vst.idx.add.f32.msk $0xffff, v18  }
0x228: {  	v58 =	vadd.s32 $0x7530, v8;
	v31 =	vadd.s32 $0x2710, v14;
	v13 =	vadd.s32 $0x4E20, v14;
	v18 =	vld.idx.msk [tilespmem:v23+s3+$0x0], $0xffff  }
0x229: {  	v60 =	vadd.s32 $0x7530, v14;
	v40 =	vadd.s32 $0x2710, v19;
	v25 =	vadd.s32 $0x4E20, v19;
	v19 =	vld [tilespmem:s26+$0x10]  }
0x22a: {  	v33 =	vadd.s32 $0x2710, v16;
	v15 =	vadd.s32 $0x4E20, v16;
	v4 =	vadd.s32 $0x2710, v32;
	v14 =	vld [tilespmem:s26+$0xFFFFFFB0]  }
0x22b: {  	v61 =	vadd.s32 $0x7530, v16;
	v35 =	vadd.s32 $0x2710, v17;
	v42 =	vadd.s32 $0x2710, v20;
	v16 =	vld [tilespmem:s26+$0xFFFFFFE0]  }
0x22c: {  	v26 =	vadd.s32 $0x4E20, v20;
	v5 =	vadd.s32 $0x4E20, v0;
	v8 =	vadd.s32 $0x7530, v20;
	v20 =	vld [tilespmem:s26+$0xFFFFFFD0]  }
0x22d: {  	v21 =	vadd.s32 $0x4E20, v17;
	v62 =	vadd.s32 $0x7530, v17;
	v17 =	vld [tilespmem:s26+$0xFFFFFFF0];
	v18 =	vmul.f32 v18, v34  }
0x22e: {  	v52 =	vmul.f32 v41, v19;
	v41 =	vld [tilespmem:s25+$0xFFFFFFC0]  }
0x22f: {  	[tilespmem:v4+s20+$0x0] =	vst.idx.add.f32.msk $0xffff, v18  }
0x230: {  	v29 =	vadd.s32 $0x2710, v12;
	v11 =	vadd.s32 $0x4E20, v12;
	v50 =	vmul.f32 v37, v16;
	v18 =	vld [tilespmem:s26+$0x0]  }
0x231: {  	v45 =	vadd.s32 $0x2710, v22;
	v30 =	vadd.s32 $0x4E20, v22;
	v12 =	vadd.s32 $0x7530, v22;
	v22 =	vld.idx.msk [tilespmem:v5+s3+$0x0], $0xffff  }
0x232: {  	[tilespmem:v54+s20+$0x0] =	vst.idx.add.f32.msk $0xffff, v50  }
0x233: {  	v47 =	vadd.s32 $0x4E20, v32;
	[tilespmem:v63+s20+$0x0] =	vst.idx.add.f32.msk $0xffff, v52  }
0x234: {  	v0 =	vadd.s32 $0x7530, v0;
	v23 =	vld [tilespmem:s26+$0xFFFFFFC0]  }
0x235: {  	v52 =	vld.idx.msk [tilespmem:v29+s3+$0x0], $0xffff  }
0x236: {  	v51 =	vmul.f32 v39, v18;
	v39 =	vld [tilespmem:s25+$0xFFFFFFB0];
	v6 =	vmul.f32 v22, v34  }
0x237: {  	v22 =	vld [tilespmem:s26+$0x20]  }
0x238: {  	[tilespmem:v47+s20+$0x0] =	vst.idx.add.f32.msk $0xffff, v6  }
0x239: {  	v48 =	vmul.f32 v24, v23;
	v0 =	vld.idx.msk [tilespmem:v0+s3+$0x0], $0xffff  }
0x23a: {  	v24 =	vld [tilespmem:s26+$0x30]  }
0x23b: {  	v27 =	vadd.s32 $0x2710, v7;
	v9 =	vadd.s32 $0x4E20, v7;
	v7 =	vadd.s32 $0x7530, v32;
	[tilespmem:v41+s20+$0x0] =	vst.idx.add.f32.msk $0xffff, v48  }
0x23c: {  	[tilespmem:v59+s20+$0x0] =	vst.idx.add.f32.msk $0xffff, v51;
	v47 =	vmul.f32 v38, v17  }
0x23d: {  	v46 =	vmul.f32 v3, v14;
	v53 =	vmul.f32 v43, v22;
	v43 =	vld [tilespmem:s25+$0xFFFFFFD0]  }
0x23e: {  	[tilespmem:v55+s20+$0x0] =	vst.idx.add.f32.msk $0xffff, v47;
	v0 =	vmul.f32 v0, v34  }
0x23f: {  	[tilespmem:v39+s20+$0x0] =	vst.idx.add.f32.msk $0xffff, v46  }
0x240: {  	[tilespmem:v7+s20+$0x0] =	vst.idx.add.f32.msk $0xffff, v0  }
0x241: {  	[tilespmem:$0x1FF30] =	vst v58;
	v0 =	vld [tilespmem:s25+$0x30]  }
0x242: {  	v49 =	vmul.f32 v36, v20;
	[tilespmem:v1+s20+$0x0] =	vst.idx.add.f32.msk $0xffff, v53  }
0x243: {  	[tilespmem:$0x1FF50] =	vst v60;
	v5 =	vadd.s32 $0x4E20, v59;
	v57 =	vadd.s32 $0x2710, v39;
	v58 =	vadd.s32 $0x4E20, v39;
	v53 =	vld.idx.msk [tilespmem:v31+s3+$0x0], $0xffff  }
0x244: {  	[tilespmem:$0x1FF60] =	vst v61;
	v32 =	vadd.s32 $0x7530, v39;
	v46 =	vadd.s32 $0x2710, v59;
	v39 =	vadd.s32 $0x7530, v59;
	v59 =	vld.idx.msk [tilespmem:v35+s3+$0x0], $0xffff  }
0x245: {  	v60 =	vadd.s32 $0x2710, v41;
	v61 =	vadd.s32 $0x4E20, v41;
	v48 =	vadd.s32 $0x2710, v63;
	[tilespmem:v43+s20+$0x0] =	vst.idx.add.f32.msk $0xffff, v49  }
0x246: {  	v34 =	vadd.s32 $0x7530, v41;
	v41 =	vadd.s32 $0x7530, v63;
	v49 =	vadd.s32 $0x4E20, v63;
	v63 =	vld.idx.msk [tilespmem:v45+s3+$0x0], $0xffff  }
0x247: {  	v2 =	vadd.s32 $0x2710, v55;
	v37 =	vadd.s32 $0x7530, v54;
	v56 =	vmul.f32 v44, v24;
	v45 =	vld.idx.msk [tilespmem:v27+s3+$0x0], $0xffff  }
0x248: {  	[tilespmem:$0x1FF70] =	vst v62;
	v50 =	vadd.s32 $0x2710, v1;
	v44 =	vadd.s32 $0x2710, v54;
	v6 =	vadd.s32 $0x4E20, v55;
	v51 =	vld.idx.msk [tilespmem:v28+s3+$0x0], $0xffff  }
0x249: {  	v38 =	vadd.s32 $0x7530, v55;
	v3 =	vadd.s32 $0x2710, v43;
	v62 =	vadd.s32 $0x4E20, v43;
	[tilespmem:v0+s20+$0x0] =	vst.idx.add.f32.msk $0xffff, v56  }
0x24a: {  	v36 =	vadd.s32 $0x7530, v43;
	v7 =	vadd.s32 $0x4E20, v54;
	v55 =	vadd.s32 $0x2710, v0;
	v56 =	vld.idx.msk [tilespmem:v33+s3+$0x0], $0xffff  }
0x24b: {  	v4 =	vadd.s32 $0x4E20, v0;
	v47 =	vadd.s32 $0x7530, v0;
	v0 =	vmul.f32 v63, v14;
	v63 =	vld.idx.msk [tilespmem:v40+s3+$0x0], $0xffff  }
0x24c: {  	v54 =	vadd.s32 $0x4E20, v1;
	v43 =	vadd.s32 $0x7530, v1;
	v1 =	vmul.f32 v45, v23;
	v45 =	vld.idx.msk [tilespmem:v42+s3+$0x0], $0xffff  }
0x24d: {  	v27 =	vmul.f32 v51, v20;
	[tilespmem:v57+s20+$0x0] =	vst.idx.add.f32.msk $0xffff, v0  }
0x24e: {  	v51 =	vmul.f32 v52, v16;
	[tilespmem:v60+s20+$0x0] =	vst.idx.add.f32.msk $0xffff, v1  }
0x24f: {  	v52 =	vmul.f32 v53, v17;
	[tilespmem:v3+s20+$0x0] =	vst.idx.add.f32.msk $0xffff, v27  }
0x250: {  	[tilespmem:v44+s20+$0x0] =	vst.idx.add.f32.msk $0xffff, v51  }
0x251: {  	[tilespmem:v2+s20+$0x0] =	vst.idx.add.f32.msk $0xffff, v52  }
0x252: {  	v60 =	vld.idx.msk [tilespmem:v30+s3+$0x0], $0xffff  }
0x253: {  	v51 =	vld [tilespmem:$0x1FF20]  }
0x254: {  	v52 =	vld [tilespmem:$0x1FF30]  }
0x255: {  	v27 =	vld.idx.msk [tilespmem:v10+s3+$0x0], $0xffff  }
0x256: {  	v28 =	vld.idx.msk [tilespmem:v11+s3+$0x0], $0xffff  }
0x257: {  	v29 =	vld.idx.msk [tilespmem:v13+s3+$0x0], $0xffff;
	v53 =	vmul.f32 v56, v18  }
0x258: {  	v56 =	vmul.f32 v59, v19;
	v57 =	vmul.f32 v63, v22;
	v63 =	vld.idx.msk [tilespmem:v9+s3+$0x0], $0xffff  }
0x259: {  	[tilespmem:v46+s20+$0x0] =	vst.idx.add.f32.msk $0xffff, v53  }
0x25a: {  	[tilespmem:v48+s20+$0x0] =	vst.idx.add.f32.msk $0xffff, v56  }
0x25b: {  	[tilespmem:v50+s20+$0x0] =	vst.idx.add.f32.msk $0xffff, v57  }
0x25c: {  	v53 =	vld [tilespmem:$0x1FF40]  }
0x25d: {  	v59 =	vmul.f32 v45, v24;
	v56 =	vld [tilespmem:$0x1FF70]  }
0x25e: {  	v57 =	vld [tilespmem:$0x1FF80]  }
0x25f: {  	[tilespmem:v55+s20+$0x0] =	vst.idx.add.f32.msk $0xffff, v59  }
0x260: {  	v30 =	vld.idx.msk [tilespmem:v15+s3+$0x0], $0xffff  }
0x261: {  	v31 =	vld.idx.msk [tilespmem:v21+s3+$0x0], $0xffff  }
0x262: {  	v33 =	vld.idx.msk [tilespmem:v25+s3+$0x0], $0xffff  }
0x263: {  	v0 =	vmul.f32 v60, v14;
	v55 =	vld [tilespmem:$0x1FF60]  }
0x264: {  	v2 =	vmul.f32 v27, v20;
	v35 =	vld.idx.msk [tilespmem:v26+s3+$0x0], $0xffff  }
0x265: {  	v40 =	vmul.f32 v28, v16;
	[tilespmem:v58+s20+$0x0] =	vst.idx.add.f32.msk $0xffff, v0  }
0x266: {  	v42 =	vmul.f32 v29, v17;
	[tilespmem:v62+s20+$0x0] =	vst.idx.add.f32.msk $0xffff, v2  }
0x267: {  	[tilespmem:v7+s20+$0x0] =	vst.idx.add.f32.msk $0xffff, v40  }
0x268: {  	v1 =	vmul.f32 v63, v23;
	[tilespmem:v6+s20+$0x0] =	vst.idx.add.f32.msk $0xffff, v42  }
0x269: {  	v50 =	vld.idx.msk [tilespmem:v12+s3+$0x0], $0xffff  }
0x26a: {  	[tilespmem:v61+s20+$0x0] =	vst.idx.add.f32.msk $0xffff, v1  }
0x26b: {  	v2 =	vld.idx.msk [tilespmem:v52+s3+$0x0], $0xffff;
	v44 =	vmul.f32 v30, v18  }
0x26c: {  	v45 =	vmul.f32 v31, v19;
	v1 =	vld.idx.msk [tilespmem:v51+s3+$0x0], $0xffff  }
0x26d: {  	v46 =	vmul.f32 v33, v22;
	[tilespmem:v5+s20+$0x0] =	vst.idx.add.f32.msk $0xffff, v44  }
0x26e: {  	[tilespmem:v49+s20+$0x0] =	vst.idx.add.f32.msk $0xffff, v45  }
0x26f: {  	[tilespmem:v54+s20+$0x0] =	vst.idx.add.f32.msk $0xffff, v46  }
0x270: {  	v48 =	vmul.f32 v35, v24;
	v3 =	vld.idx.msk [tilespmem:v53+s3+$0x0], $0xffff  }
0x271: {  	v54 =	vld [tilespmem:$0x1FF50]  }
0x272: {  	[tilespmem:v4+s20+$0x0] =	vst.idx.add.f32.msk $0xffff, v48  }
0x273: {  	v5 =	vld.idx.msk [tilespmem:v55+s3+$0x0], $0xffff  }
0x274: {  	v6 =	vld.idx.msk [tilespmem:v56+s3+$0x0], $0xffff  }
0x275: {  	v0 =	vmul.f32 v50, v14;
	v7 =	vld.idx.msk [tilespmem:v57+s3+$0x0], $0xffff  }
0x276: {  	v2 =	vmul.f32 v2, v20;
	v8 =	vld.idx.msk [tilespmem:v8+s3+$0x0], $0xffff  }
0x277: {  	[tilespmem:v32+s20+$0x0] =	vst.idx.add.f32.msk $0xffff, v0  }
0x278: {  	v1 =	vmul.f32 v1, v23;
	[tilespmem:v36+s20+$0x0] =	vst.idx.add.f32.msk $0xffff, v2  }
0x279: {  	v58 =	vmul.f32 v3, v16;
	v4 =	vld.idx.msk [tilespmem:v54+s3+$0x0], $0xffff  }
0x27a: {  	s28 =	sadd.s32 $0xA, s28;
	[tilespmem:v34+s20+$0x0] =	vst.idx.add.f32.msk $0xffff, v1;
	v60 =	vmul.f32 v5, v18  }
0x27b: {  	p0 =	slt.u32 s28, $0xBE;
	v61 =	vmul.f32 v6, v19;
	[tilespmem:v37+s20+$0x0] =	vst.idx.add.f32.msk $0xffff, v58  }
.Ltmp8:
0x27c: {  	v62 =	vmul.f32 v7, v22;
	[tilespmem:v39+s20+$0x0] =	vst.idx.add.f32.msk $0xffff, v60;
	(pc) =	sbr.rel @p0 .LBB2_15-.Ltmp8, $4  }
0x27d: {  	v63 =	vmul.f32 v8, v24;
	[tilespmem:v41+s20+$0x0] =	vst.idx.add.f32.msk $0xffff, v61  }
0x27e: {  	[tilespmem:v43+s20+$0x0] =	vst.idx.add.f32.msk $0xffff, v62;
	v59 =	vmul.f32 v4, v17  }
0x27f: {  	[tilespmem:v47+s20+$0x0] =	vst.idx.add.f32.msk $0xffff, v63  }
0x280: {  	s29 =	sadd.s32 $0xA0, s29;
	[tilespmem:v38+s20+$0x0] =	vst.idx.add.f32.msk $0xffff, v59  }
0x281: {  	s24 =	sadd.s32 $0x1, s24  }
0x282: {  	p0 =	sne.s32 s24, $0x32  }
.Ltmp9:
0x283: {  	_ = 	snop;
	(pc) =	sbr.rel @p0 .LBB2_12-.Ltmp9, $1  }
0x284: {  	_ =	sdelay $0x3  }
0x285: {  	_ =	swait.ge [sflag:s13], $0xC80  }
0x286: {  	[sflag:s13] =	ssyncset.done $0x0  }
0x287: {  	[sflag:s13] =	ssyncadd.s32 $0xFFFFF380  }
0x288: {  	_ =	swait.ge [sflag:s13], $0xC80  }
0x289: {  	[sflag:s13] =	ssyncset.done $0x0  }
0x28a: {  	[sflag:s13] =	ssyncadd.s32 $0xFFFFF380  }
0x28b: {  	_ =	swait.ge [sflag:s13], $0xC80  }
0x28c: {  	[sflag:s13] =	ssyncset.done $0x0  }
0x28d: {  	s24 =	simm.s32 $0x0;
	[sflag:s13] =	ssyncadd.s32 $0xFFFFF380  }
0x28e: {  	v1 =	vld [tilespmem:s24+$0x138C0]  }
0x28f: {  	v0 =	vld [tilespmem:s24+$0x111B0]  }
0x290: {  	v2 =	vld [tilespmem:s24+$0x13880]  }
0x291: {  	v3 =	vld [tilespmem:s24+$0x9C40]  }
0x292: {  	v4 =	vld [tilespmem:s24+$0xC350]  }
0x293: {  	v5 =	vld [tilespmem:s24+$0xEA60]  }
0x294: {  	v6 =	vld [tilespmem:s24+$0x11170]  }
0x295: {  	v7 =	vld [tilespmem:s24+$0x13890]  }
0x296: {  	v8 =	vld [tilespmem:s24+$0x9C50]  }
0x297: {  	v9 =	vld [tilespmem:s24+$0xC360];
	v0 =	vmul.f32 v0, v1  }
0x298: {  	v10 =	vld [tilespmem:s24+$0xEA70];
	v3 =	vmul.f32 v3, v2  }
0x299: {  	[tilespmem:s24+$0x111B0] =	vst v0;
	v0 =	vmul.f32 v4, v2;
	v4 =	vld [tilespmem:s24+$0x11180]  }
0x29a: {  	[tilespmem:s24+$0x9C40] =	vst v3;
	v3 =	vmul.f32 v5, v2;
	v5 =	vld [tilespmem:s24+$0x138A0]  }
0x29b: {  	[tilespmem:s24+$0xC350] =	vst v0;
	v0 =	vmul.f32 v6, v2;
	v6 =	vld [tilespmem:s24+$0x9C60]  }
0x29c: {  	[tilespmem:s24+$0xEA60] =	vst v3;
	v2 =	vmul.f32 v8, v7;
	v3 =	vld [tilespmem:s24+$0xC370]  }
0x29d: {  	v8 =	vld [tilespmem:s24+$0xEA80];
	[tilespmem:s24+$0x11170] =	vst v0;
	v0 =	vmul.f32 v9, v7  }
0x29e: {  	[tilespmem:s24+$0x9C50] =	vst v2;
	v9 =	vmul.f32 v10, v7;
	v10 =	vld [tilespmem:s24+$0x11190]  }
0x29f: {  	v2 =	vld [tilespmem:s24+$0x138B0];
	[tilespmem:s24+$0xC360] =	vst v0;
	v0 =	vmul.f32 v4, v7  }
0x2a0: {  	[tilespmem:s24+$0xEA70] =	vst v9;
	v4 =	vmul.f32 v6, v5;
	v6 =	vld [tilespmem:s24+$0x9C70]  }
0x2a1: {  	v7 =	vld [tilespmem:s24+$0xC380];
	[tilespmem:s24+$0x11180] =	vst v0;
	v0 =	vmul.f32 v3, v5  }
0x2a2: {  	v3 =	vmul.f32 v8, v5;
	[tilespmem:s24+$0x9C60] =	vst v4;
	v4 =	vld [tilespmem:s24+$0xEA90]  }
0x2a3: {  	[tilespmem:s24+$0xC370] =	vst v0;
	v0 =	vmul.f32 v10, v5;
	v5 =	vld [tilespmem:s24+$0x111A0]  }
0x2a4: {  	[tilespmem:s24+$0xEA80] =	vst v3;
	v3 =	vld [tilespmem:s24+$0x9C80]  }
0x2a5: {  	s25 =	simm.s32 $0x0;
	s26 =	simm.s32 $0x140;
	[tilespmem:s24+$0x11190] =	vst v0;
	v8 =	vmul.f32 v6, v2;
	v6 =	vld [tilespmem:s24+$0xC390]  }
.LBB2_18:
0x2a6: {  	s28 =	sshra.s32 s26, $0x2;
	v0 =	vmul.f32 v7, v2;
	v7 =	vld [tilespmem:s24+$0xEAA0]  }
0x2a7: {  	s25 =	sadd.s32 $0x5, s25;
	v9 =	vld [tilespmem:s28+$0x138C0];
	[tilespmem:s24+$0x9C70] =	vst v8;
	v4 =	vmul.f32 v4, v2  }
0x2a8: {  	p0 =	slt.u32 s25, $0x26C;
	v8 =	vld [tilespmem:s28+$0x111B0];
	[tilespmem:s24+$0xC380] =	vst v0;
	v0 =	vmul.f32 v5, v2  }
0x2a9: {  	v2 =	vld [tilespmem:s28+$0x13880];
	[tilespmem:s24+$0xEA90] =	vst v4;
	v3 =	vmul.f32 v3, v1  }
0x2aa: {  	v4 =	vld [tilespmem:s28+$0x9C40];
	[tilespmem:s24+$0x111A0] =	vst v0;
	v0 =	vmul.f32 v6, v1  }
0x2ab: {  	v5 =	vld [tilespmem:s28+$0xC350];
	[tilespmem:s24+$0x9C80] =	vst v3;
	v3 =	vmul.f32 v7, v1  }
0x2ac: {  	v6 =	vld [tilespmem:s28+$0xEA60];
	[tilespmem:s24+$0xC390] =	vst v0;
	v1 =	vmov v9  }
0x2ad: {  	v0 =	vld [tilespmem:s28+$0x11170];
	v7 =	vmul.f32 v8, v1;
	[tilespmem:s24+$0xEAA0] =	vst v3;
	s24 =	smov.u32 s28  }
0x2ae: {  	v3 =	vld [tilespmem:s24+$0x13890]  }
0x2af: {  	v4 =	vmul.f32 v4, v2;
	v8 =	vld [tilespmem:s24+$0x9C50];
	[tilespmem:s24+$0x111B0] =	vst v7  }
0x2b0: {  	v5 =	vmul.f32 v5, v2;
	v7 =	vld [tilespmem:s24+$0xC360]  }
0x2b1: {  	[tilespmem:s24+$0x9C40] =	vst v4;
	v4 =	vmul.f32 v6, v2;
	v6 =	vld [tilespmem:s24+$0xEA70]  }
0x2b2: {  	[tilespmem:s24+$0xC350] =	vst v5;
	v0 =	vmul.f32 v0, v2;
	v2 =	vld [tilespmem:s24+$0x11180]  }
0x2b3: {  	[tilespmem:s24+$0xEA60] =	vst v4;
	v5 =	vld [tilespmem:s24+$0x138A0]  }
0x2b4: {  	[tilespmem:s24+$0x11170] =	vst v0;
	v0 =	vmul.f32 v8, v3;
	v4 =	vld [tilespmem:s24+$0x9C60]  }
0x2b5: {  	v7 =	vmul.f32 v7, v3;
	v8 =	vld [tilespmem:s24+$0xC370]  }
0x2b6: {  	[tilespmem:s24+$0x9C50] =	vst v0;
	v0 =	vmul.f32 v6, v3;
	v6 =	vld [tilespmem:s24+$0xEA80]  }
0x2b7: {  	[tilespmem:s24+$0xC360] =	vst v7;
	v3 =	vmul.f32 v2, v3;
	v9 =	vld [tilespmem:s24+$0x11190]  }
0x2b8: {  	[tilespmem:s24+$0xEA70] =	vst v0;
	v2 =	vld [tilespmem:s24+$0x138B0]  }
0x2b9: {  	[tilespmem:s24+$0x11180] =	vst v3;
	v0 =	vmul.f32 v4, v5;
	v10 =	vld [tilespmem:s24+$0x9C70]  }
.Ltmp10:
0x2ba: {  	v3 =	vmul.f32 v8, v5;
	v7 =	vld [tilespmem:s24+$0xC380];
	(pc) =	sbr.rel @p0 .LBB2_18-.Ltmp10, $4  }
0x2bb: {  	[tilespmem:s24+$0x9C60] =	vst v0;
	v0 =	vmul.f32 v6, v5;
	v4 =	vld [tilespmem:s24+$0xEA90]  }
0x2bc: {  	[tilespmem:s24+$0xC370] =	vst v3;
	v6 =	vmul.f32 v9, v5;
	v5 =	vld [tilespmem:s24+$0x111A0]  }
0x2bd: {  	[tilespmem:s24+$0xEA80] =	vst v0;
	v3 =	vld [tilespmem:s24+$0x9C80]  }
0x2be: {  	s26 =	sadd.s32 $0x140, s26;
	[tilespmem:s24+$0x11190] =	vst v6;
	v8 =	vmul.f32 v10, v2;
	v6 =	vld [tilespmem:s24+$0xC390]  }
0x2bf: {  	v0 =	vmul.f32 v7, v2;
	v63 =	vld [tilespmem:s24+$0xEAA0]  }
0x2c0: {  	[tilespmem:s24+$0x9C70] =	vst v8;
	v4 =	vmul.f32 v4, v2  }
0x2c1: {  	[tilespmem:s24+$0xC380] =	vst v0;
	v0 =	vmul.f32 v5, v2  }
0x2c2: {  	[tilespmem:s24+$0xEA90] =	vst v4;
	v2 =	vmul.f32 v3, v1  }
0x2c3: {  	[tilespmem:s24+$0x111A0] =	vst v0;
	v0 =	vmul.f32 v6, v1  }
0x2c4: {  	s23 =	sadd.s32 $0x1, s23;
	[tilespmem:s24+$0x9C80] =	vst v2;
	v1 =	vmul.f32 v63, v1  }
0x2c5: {  	p0 =	sne.s32 s23, s10;
	[tilespmem:s24+$0xC390] =	vst v0  }
.Ltmp11:
0x2c6: {  	[tilespmem:s24+$0xEAA0] =	vst v1;
	(pc) =	sbr.rel @p0 .LBB2_1-.Ltmp11, $4  }
0x2c7: {  	[hbm4b:s9+s3] =	stream.linear.scatter [tilespmem:s20], [sflag:$0x3], $0x9C40, $0x38;
	[tilespmem:$0x1D380] =	vst v63  }
0x2c8: {  	_ =	swait.ge [sflag:s22], $0x9C40  }
0x2c9: {  	[sflag:s22] =	ssyncset.done $0x0  }
0x2ca: {  	v0 =	vimm.f32 $0.0e+00;
	[sflag:s22] =	ssyncadd.s32 $0xFFFF63C0  }
0x2cb: {  	_ =	sfence.sel $0x180000  }
0x2cc: {  	[bflag:$0x0] =	sbarrier.arrive $0xFFFF  }
0x2cd: {  	p0 =	sne.s32 s1, $0x0;
	_ =	strace $0x9000004A  }
0x2ce: {  	s0 =	sadd.s32 @!p0 $0x100000, s0;
	[bflag:$0x2] =	sbarrier.arrive $0xFFFF  }
0x2cf: {  	[sflag:s0] =	ssyncadd.tile.s32 @!p0 $0x1;
	_ =	shalt  }
.Lfunc_end2:
_tile_overlayer_lowered:
.L_overlay_start_2:
0x2d0: {  	(tag) =	ssettag $0x2  }
0x2d1: {  	s0 =	rddreg [dreg:$0x0];
	s2 =	stileid.u32  }
0x2d2: {  	s1 =	rddreg [dreg:$0x1];
	p0 =	sne.s32 s2, $0x0  }
0x2d3: {  	s3 =	rddreg [dreg:$0x2];
	[bflag:$0x3] =	sbarrier.arrive $0xFFFF;
	s2 =	simm.s32 @!p0 $0x1C03  }
0x2d4: {  	[timem:s3], [sflag:s2] =	dma.local @!p0 [hbm:s0], s1  }
0x2d5: {  	s0 =	simm.s32 @!p0 $0x3  }
0x2d6: {  	_ =	swait.ge @!p0 [sflag:s0], s1  }
0x2d7: {  	s1 =	ssub.s32 @!p0 $0x0, s1;
	[sflag:s0] =	ssyncset.done @!p0 $0x0  }
0x2d8: {  	[sflag:s0] =	ssyncadd.s32 @!p0 s1  }
0x2d9: {  	[bflag:$0x3] =	sbarrier.arrive $0xFFFF  }
0x2da: {  	_ =	shalt  }

</sc_bundles>
